<compile_context>
chip_gen: v7x
topology: tpu7x:2x2x1
jax: 0.10.2.dev20260603
libtpu: 0.0.44.dev20260713+nightly
codegen_flags: <defaults>
</compile_context>

<pallas_src>
import functools

import jax
import jax.numpy as jnp
from jax import lax
from jax.experimental import pallas as pl
from jax.experimental.pallas import tpu as pltpu
from jax.experimental.pallas import tpu_sc as plsc

_NUM_EMB = 100
_DIM = 128
_BATCH = 16384

_NC = 2
_NS = 16
_NW = _NC * _NS
_B_PER_W = _BATCH // _NW
_CHUNK = 64
_NCHUNK = _B_PER_W // _CHUNK


def _emb_body(idx_hbm, table_hbm, out_hbm, idx_v, table_sh, rows_v,
              gsem, ssem, isem):
    sid = lax.axis_index("s")
    wid = sid * _NC + lax.axis_index("c")
    base = wid * _B_PER_W
    idx_copies = [
        pltpu.async_copy(idx_hbm.at[pl.ds(base + j * _CHUNK, _CHUNK)],
                         idx_v.at[j], isem)
        for j in range(_NCHUNK)
    ]
    @pl.when(sid < 3)
    def _stage():
        pltpu.sync_copy(table_hbm.at[pl.ds(sid * 32, 32)],
                        table_sh.at[pl.ds(sid * 32, 32)])
    @pl.when(sid == 3)
    def _stage_tail():
        pltpu.sync_copy(table_hbm.at[pl.ds(96, 4)],
                        table_sh.at[pl.ds(96, 4)])
    plsc.subcore_barrier()
    gathers = []
    for j in range(_NCHUNK):
        idx_copies[j].wait()
        gathers.append(
            pltpu.async_copy(
                table_sh.at[idx_v.at[j]],
                rows_v.at[pl.ds(j * _CHUNK, _CHUNK)],
                gsem.at[j],
            )
        )
    stores = []
    for j in range(_NCHUNK):
        gathers[j].wait()
        stores.append(
            pltpu.async_copy(
                rows_v.at[pl.ds(j * _CHUNK, _CHUNK)],
                out_hbm.at[pl.ds(base + j * _CHUNK, _CHUNK)],
                ssem,
            )
        )
    for c in stores:
        c.wait()


@jax.jit
def _emb_lookup(file_ids, embedding_weight):
    mesh = plsc.VectorSubcoreMesh(core_axis_name="c", subcore_axis_name="s")
    f = functools.partial(
        pl.kernel,
        out_type=jax.ShapeDtypeStruct((_BATCH, _DIM), jnp.float32),
        mesh=mesh,
        scratch_types=[
            pltpu.VMEM((_NCHUNK, _CHUNK), jnp.int32),
            pltpu.VMEM_SHARED((_NUM_EMB, _DIM), jnp.float32),
            pltpu.VMEM((_B_PER_W, _DIM), jnp.float32),
            pltpu.SemaphoreType.DMA((_NCHUNK,)),
            pltpu.SemaphoreType.DMA,
            pltpu.SemaphoreType.DMA,
        ],
    )(_emb_body)
    return f(file_ids.astype(jnp.int32), embedding_weight)


def kernel(file_ids, embedding_weight):
    return _emb_lookup(file_ids, embedding_weight)

# --- scband reference (transcript-rebuilt; emitter-appended) ---
"""Pipeline reference for scband-file-context-embedding-38680475468374 (READ-ONLY COPY).

The authoritative reference and input builder live on the scoring server;
editing this copy changes nothing except your own understanding.
"""

import jax, jax.numpy as jnp
import numpy as np

NUM_EMBEDDINGS = 100
CONTEXT_DIM = 128
BATCH = 16384

def setup_inputs(seed: int = 0) -> dict:
    key = jax.random.key(seed)
    k_idx, k_w = jax.random.split(key)
    file_ids = jax.random.randint(k_idx, (BATCH,), 0, NUM_EMBEDDINGS, dtype=jnp.int64 if jax.config.jax_enable_x64 else jnp.int32)
    # embedding table initialized normal(mean=0, std=0.01) as in the torch module
    embedding_weight = jax.random.normal(k_w, (NUM_EMBEDDINGS, CONTEXT_DIM), dtype=jnp.float32) * 0.01
    return {"file_ids": file_ids, "embedding_weight": embedding_weight}

def reference(file_ids, embedding_weight):
    # nn.Embedding lookup: table[idx]
    return jnp.take(embedding_weight, file_ids, axis=0)

if __name__ == "__main__":
    import jax
    _d = setup_inputs()
    print(jax.jit(kernel)(*tuple(_d.values())))

</pallas_src>

<mosaic_0001>
#map = affine_map<(d0, d1) -> (0)>
#map1 = affine_map<(d0, d1) -> (0, 0)>
module attributes {stable_mosaic.version = 14 : i64} {
  func.func @_emb_body(%arg0: i32, %arg1: i32, %arg2: memref<16384xi32, #tpu.memory_space<hbm>>, %arg3: memref<100x128xf32, #tpu.memory_space<hbm>>, %arg4: memref<16384x128xf32, #tpu.memory_space<hbm>>, %arg5: memref<8x64xi32, #tpu.memory_space<vmem>>, %arg6: memref<100x128xf32, #tpu.memory_space<vmem_shared>>, %arg7: memref<512x128xf32, #tpu.memory_space<vmem>>, %arg8: memref<8x!tpu.dma_semaphore, #tpu.memory_space<semaphore_mem>>, %arg9: memref<!tpu.dma_semaphore, #tpu.memory_space<semaphore_mem>>, %arg10: memref<!tpu.dma_semaphore, #tpu.memory_space<semaphore_mem>>) attributes {dimension_semantics = [#tpu.dimension_semantics<core_parallel>, #tpu.dimension_semantics<subcore_parallel>], iteration_bounds = array<i64: 2, 16>, scalar_prefetch = 0 : i64, scratch_operands = 6 : i64, tpu.core_type = #tpu.core_type<sc_vector_subcore>, window_params = [{transform_indices = #map}, {transform_indices = #map1}, {transform_indices = #map1}]} {
    %mul3A = arith.constant 2 : i32
    %mul3A_0 = arith.muli %arg1, %mul3A : i32
    %add3A = arith.addi %mul3A_0, %arg0 : i32
    %mul3A_1 = arith.constant 512 : i32
    %mul3A_2 = arith.muli %add3A, %mul3A_1 : i32
    %add3A_3 = arith.constant 0 : i32
    %add3A_4 = arith.addi %mul3A_2, %add3A_3 : i32
    %dma_start3A = arith.constant 0 : i32
    %dma_start3A_5 = arith.constant 0 : i32
    %dma_start3A_6 = tpu.memref_slice %arg5[%dma_start3A, %dma_start3A_5] : memref<8x64xi32, #tpu.memory_space<vmem>> -> memref<1x64xi32, #tpu.memory_space<vmem>>
    %dma_start3A_7 = tpu.memref_squeeze %dma_start3A_6 : memref<1x64xi32, #tpu.memory_space<vmem>> -> memref<64xi32, #tpu.memory_space<vmem>>
    %dma_start3A_8 = tpu.memref_slice %arg2[%add3A_4] : memref<16384xi32, #tpu.memory_space<hbm>> -> memref<64xi32, #tpu.memory_space<hbm>>
    %dma_start3A_9 = arith.constant 0 : i32
    %dma_start3A_10 = tpu.memref_slice %arg5[%dma_start3A, %dma_start3A_9] : memref<8x64xi32, #tpu.memory_space<vmem>> -> memref<1x64xi32, #tpu.memory_space<vmem>>
    %dma_start3A_11 = tpu.memref_squeeze %dma_start3A_10 : memref<1x64xi32, #tpu.memory_space<vmem>> -> memref<64xi32, #tpu.memory_space<vmem>>
    %dma_start3A_12 = tpu.memref_slice %arg2[%add3A_4] : memref<16384xi32, #tpu.memory_space<hbm>> -> memref<64xi32, #tpu.memory_space<hbm>>
    tpu.enqueue_dma source(%dma_start3A_12 : memref<64xi32, #tpu.memory_space<hbm>>) target(%dma_start3A_11 : memref<64xi32, #tpu.memory_space<vmem>>) target_semaphore(%arg10 : memref<!tpu.dma_semaphore, #tpu.memory_space<semaphore_mem>>)
    %add3A_13 = arith.constant 64 : i32
    %add3A_14 = arith.addi %mul3A_2, %add3A_13 : i32
    %dma_start3A_15 = arith.constant 1 : i32
    %dma_start3A_16 = arith.constant 0 : i32
    %dma_start3A_17 = tpu.memref_slice %arg5[%dma_start3A_15, %dma_start3A_16] : memref<8x64xi32, #tpu.memory_space<vmem>> -> memref<1x64xi32, #tpu.memory_space<vmem>>
    %dma_start3A_18 = tpu.memref_squeeze %dma_start3A_17 : memref<1x64xi32, #tpu.memory_space<vmem>> -> memref<64xi32, #tpu.memory_space<vmem>>
    %dma_start3A_19 = tpu.memref_slice %arg2[%add3A_14] : memref<16384xi32, #tpu.memory_space<hbm>> -> memref<64xi32, #tpu.memory_space<hbm>>
    %dma_start3A_20 = arith.constant 0 : i32
    %dma_start3A_21 = tpu.memref_slice %arg5[%dma_start3A_15, %dma_start3A_20] : memref<8x64xi32, #tpu.memory_space<vmem>> -> memref<1x64xi32, #tpu.memory_space<vmem>>
    %dma_start3A_22 = tpu.memref_squeeze %dma_start3A_21 : memref<1x64xi32, #tpu.memory_space<vmem>> -> memref<64xi32, #tpu.memory_space<vmem>>
    %dma_start3A_23 = tpu.memref_slice %arg2[%add3A_14] : memref<16384xi32, #tpu.memory_space<hbm>> -> memref<64xi32, #tpu.memory_space<hbm>>
    tpu.enqueue_dma source(%dma_start3A_23 : memref<64xi32, #tpu.memory_space<hbm>>) target(%dma_start3A_22 : memref<64xi32, #tpu.memory_space<vmem>>) target_semaphore(%arg10 : memref<!tpu.dma_semaphore, #tpu.memory_space<semaphore_mem>>)
    %add3A_24 = arith.constant 128 : i32
    %add3A_25 = arith.addi %mul3A_2, %add3A_24 : i32
    %dma_start3A_26 = arith.constant 2 : i32
    %dma_start3A_27 = arith.constant 0 : i32
    %dma_start3A_28 = tpu.memref_slice %arg5[%dma_start3A_26, %dma_start3A_27] : memref<8x64xi32, #tpu.memory_space<vmem>> -> memref<1x64xi32, #tpu.memory_space<vmem>>
    %dma_start3A_29 = tpu.memref_squeeze %dma_start3A_28 : memref<1x64xi32, #tpu.memory_space<vmem>> -> memref<64xi32, #tpu.memory_space<vmem>>
    %dma_start3A_30 = tpu.memref_slice %arg2[%add3A_25] : memref<16384xi32, #tpu.memory_space<hbm>> -> memref<64xi32, #tpu.memory_space<hbm>>
    %dma_start3A_31 = arith.constant 0 : i32
    %dma_start3A_32 = tpu.memref_slice %arg5[%dma_start3A_26, %dma_start3A_31] : memref<8x64xi32, #tpu.memory_space<vmem>> -> memref<1x64xi32, #tpu.memory_space<vmem>>
    %dma_start3A_33 = tpu.memref_squeeze %dma_start3A_32 : memref<1x64xi32, #tpu.memory_space<vmem>> -> memref<64xi32, #tpu.memory_space<vmem>>
    %dma_start3A_34 = tpu.memref_slice %arg2[%add3A_25] : memref<16384xi32, #tpu.memory_space<hbm>> -> memref<64xi32, #tpu.memory_space<hbm>>
    tpu.enqueue_dma source(%dma_start3A_34 : memref<64xi32, #tpu.memory_space<hbm>>) target(%dma_start3A_33 : memref<64xi32, #tpu.memory_space<vmem>>) target_semaphore(%arg10 : memref<!tpu.dma_semaphore, #tpu.memory_space<semaphore_mem>>)
    %add3A_35 = arith.constant 192 : i32
    %add3A_36 = arith.addi %mul3A_2, %add3A_35 : i32
    %dma_start3A_37 = arith.constant 3 : i32
    %dma_start3A_38 = arith.constant 0 : i32
    %dma_start3A_39 = tpu.memref_slice %arg5[%dma_start3A_37, %dma_start3A_38] : memref<8x64xi32, #tpu.memory_space<vmem>> -> memref<1x64xi32, #tpu.memory_space<vmem>>
    %dma_start3A_40 = tpu.memref_squeeze %dma_start3A_39 : memref<1x64xi32, #tpu.memory_space<vmem>> -> memref<64xi32, #tpu.memory_space<vmem>>
    %dma_start3A_41 = tpu.memref_slice %arg2[%add3A_36] : memref<16384xi32, #tpu.memory_space<hbm>> -> memref<64xi32, #tpu.memory_space<hbm>>
    %dma_start3A_42 = arith.constant 0 : i32
    %dma_start3A_43 = tpu.memref_slice %arg5[%dma_start3A_37, %dma_start3A_42] : memref<8x64xi32, #tpu.memory_space<vmem>> -> memref<1x64xi32, #tpu.memory_space<vmem>>
    %dma_start3A_44 = tpu.memref_squeeze %dma_start3A_43 : memref<1x64xi32, #tpu.memory_space<vmem>> -> memref<64xi32, #tpu.memory_space<vmem>>
    %dma_start3A_45 = tpu.memref_slice %arg2[%add3A_36] : memref<16384xi32, #tpu.memory_space<hbm>> -> memref<64xi32, #tpu.memory_space<hbm>>
    tpu.enqueue_dma source(%dma_start3A_45 : memref<64xi32, #tpu.memory_space<hbm>>) target(%dma_start3A_44 : memref<64xi32, #tpu.memory_space<vmem>>) target_semaphore(%arg10 : memref<!tpu.dma_semaphore, #tpu.memory_space<semaphore_mem>>)
    %add3A_46 = arith.constant 256 : i32
    %add3A_47 = arith.addi %mul3A_2, %add3A_46 : i32
    %dma_start3A_48 = arith.constant 4 : i32
    %dma_start3A_49 = arith.constant 0 : i32
    %dma_start3A_50 = tpu.memref_slice %arg5[%dma_start3A_48, %dma_start3A_49] : memref<8x64xi32, #tpu.memory_space<vmem>> -> memref<1x64xi32, #tpu.memory_space<vmem>>
    %dma_start3A_51 = tpu.memref_squeeze %dma_start3A_50 : memref<1x64xi32, #tpu.memory_space<vmem>> -> memref<64xi32, #tpu.memory_space<vmem>>
    %dma_start3A_52 = tpu.memref_slice %arg2[%add3A_47] : memref<16384xi32, #tpu.memory_space<hbm>> -> memref<64xi32, #tpu.memory_space<hbm>>
    %dma_start3A_53 = arith.constant 0 : i32
    %dma_start3A_54 = tpu.memref_slice %arg5[%dma_start3A_48, %dma_start3A_53] : memref<8x64xi32, #tpu.memory_space<vmem>> -> memref<1x64xi32, #tpu.memory_space<vmem>>
    %dma_start3A_55 = tpu.memref_squeeze %dma_start3A_54 : memref<1x64xi32, #tpu.memory_space<vmem>> -> memref<64xi32, #tpu.memory_space<vmem>>
    %dma_start3A_56 = tpu.memref_slice %arg2[%add3A_47] : memref<16384xi32, #tpu.memory_space<hbm>> -> memref<64xi32, #tpu.memory_space<hbm>>
    tpu.enqueue_dma source(%dma_start3A_56 : memref<64xi32, #tpu.memory_space<hbm>>) target(%dma_start3A_55 : memref<64xi32, #tpu.memory_space<vmem>>) target_semaphore(%arg10 : memref<!tpu.dma_semaphore, #tpu.memory_space<semaphore_mem>>)
    %add3A_57 = arith.constant 320 : i32
    %add3A_58 = arith.addi %mul3A_2, %add3A_57 : i32
    %dma_start3A_59 = arith.constant 5 : i32
    %dma_start3A_60 = arith.constant 0 : i32
    %dma_start3A_61 = tpu.memref_slice %arg5[%dma_start3A_59, %dma_start3A_60] : memref<8x64xi32, #tpu.memory_space<vmem>> -> memref<1x64xi32, #tpu.memory_space<vmem>>
    %dma_start3A_62 = tpu.memref_squeeze %dma_start3A_61 : memref<1x64xi32, #tpu.memory_space<vmem>> -> memref<64xi32, #tpu.memory_space<vmem>>
    %dma_start3A_63 = tpu.memref_slice %arg2[%add3A_58] : memref<16384xi32, #tpu.memory_space<hbm>> -> memref<64xi32, #tpu.memory_space<hbm>>
    %dma_start3A_64 = arith.constant 0 : i32
    %dma_start3A_65 = tpu.memref_slice %arg5[%dma_start3A_59, %dma_start3A_64] : memref<8x64xi32, #tpu.memory_space<vmem>> -> memref<1x64xi32, #tpu.memory_space<vmem>>
    %dma_start3A_66 = tpu.memref_squeeze %dma_start3A_65 : memref<1x64xi32, #tpu.memory_space<vmem>> -> memref<64xi32, #tpu.memory_space<vmem>>
    %dma_start3A_67 = tpu.memref_slice %arg2[%add3A_58] : memref<16384xi32, #tpu.memory_space<hbm>> -> memref<64xi32, #tpu.memory_space<hbm>>
    tpu.enqueue_dma source(%dma_start3A_67 : memref<64xi32, #tpu.memory_space<hbm>>) target(%dma_start3A_66 : memref<64xi32, #tpu.memory_space<vmem>>) target_semaphore(%arg10 : memref<!tpu.dma_semaphore, #tpu.memory_space<semaphore_mem>>)
    %add3A_68 = arith.constant 384 : i32
    %add3A_69 = arith.addi %mul3A_2, %add3A_68 : i32
    %dma_start3A_70 = arith.constant 6 : i32
    %dma_start3A_71 = arith.constant 0 : i32
    %dma_start3A_72 = tpu.memref_slice %arg5[%dma_start3A_70, %dma_start3A_71] : memref<8x64xi32, #tpu.memory_space<vmem>> -> memref<1x64xi32, #tpu.memory_space<vmem>>
    %dma_start3A_73 = tpu.memref_squeeze %dma_start3A_72 : memref<1x64xi32, #tpu.memory_space<vmem>> -> memref<64xi32, #tpu.memory_space<vmem>>
    %dma_start3A_74 = tpu.memref_slice %arg2[%add3A_69] : memref<16384xi32, #tpu.memory_space<hbm>> -> memref<64xi32, #tpu.memory_space<hbm>>
    %dma_start3A_75 = arith.constant 0 : i32
    %dma_start3A_76 = tpu.memref_slice %arg5[%dma_start3A_70, %dma_start3A_75] : memref<8x64xi32, #tpu.memory_space<vmem>> -> memref<1x64xi32, #tpu.memory_space<vmem>>
    %dma_start3A_77 = tpu.memref_squeeze %dma_start3A_76 : memref<1x64xi32, #tpu.memory_space<vmem>> -> memref<64xi32, #tpu.memory_space<vmem>>
    %dma_start3A_78 = tpu.memref_slice %arg2[%add3A_69] : memref<16384xi32, #tpu.memory_space<hbm>> -> memref<64xi32, #tpu.memory_space<hbm>>
    tpu.enqueue_dma source(%dma_start3A_78 : memref<64xi32, #tpu.memory_space<hbm>>) target(%dma_start3A_77 : memref<64xi32, #tpu.memory_space<vmem>>) target_semaphore(%arg10 : memref<!tpu.dma_semaphore, #tpu.memory_space<semaphore_mem>>)
    %add3A_79 = arith.constant 448 : i32
    %add3A_80 = arith.addi %mul3A_2, %add3A_79 : i32
    %dma_start3A_81 = arith.constant 7 : i32
    %dma_start3A_82 = arith.constant 0 : i32
    %dma_start3A_83 = tpu.memref_slice %arg5[%dma_start3A_81, %dma_start3A_82] : memref<8x64xi32, #tpu.memory_space<vmem>> -> memref<1x64xi32, #tpu.memory_space<vmem>>
    %dma_start3A_84 = tpu.memref_squeeze %dma_start3A_83 : memref<1x64xi32, #tpu.memory_space<vmem>> -> memref<64xi32, #tpu.memory_space<vmem>>
    %dma_start3A_85 = tpu.memref_slice %arg2[%add3A_80] : memref<16384xi32, #tpu.memory_space<hbm>> -> memref<64xi32, #tpu.memory_space<hbm>>
    %dma_start3A_86 = arith.constant 0 : i32
    %dma_start3A_87 = tpu.memref_slice %arg5[%dma_start3A_81, %dma_start3A_86] : memref<8x64xi32, #tpu.memory_space<vmem>> -> memref<1x64xi32, #tpu.memory_space<vmem>>
    %dma_start3A_88 = tpu.memref_squeeze %dma_start3A_87 : memref<1x64xi32, #tpu.memory_space<vmem>> -> memref<64xi32, #tpu.memory_space<vmem>>
    %dma_start3A_89 = tpu.memref_slice %arg2[%add3A_80] : memref<16384xi32, #tpu.memory_space<hbm>> -> memref<64xi32, #tpu.memory_space<hbm>>
    tpu.enqueue_dma source(%dma_start3A_89 : memref<64xi32, #tpu.memory_space<hbm>>) target(%dma_start3A_88 : memref<64xi32, #tpu.memory_space<vmem>>) target_semaphore(%arg10 : memref<!tpu.dma_semaphore, #tpu.memory_space<semaphore_mem>>)
    %lt3A = arith.constant 3 : i32
    %lt3A_90 = arith.cmpi slt, %arg1, %lt3A : i32
    %convert_element_type3A = arith.extui %lt3A_90 : i1 to i32
    %cond3A = arith.constant 0 : i32
    %cond3A_91 = arith.cmpi ne, %convert_element_type3A, %cond3A : i32
    scf.if %cond3A_91 {
      %mul3A_551 = arith.constant 32 : i32
      %mul3A_552 = arith.muli %arg1, %mul3A_551 : i32
      %mul3A_553 = arith.constant 32 : i32
      %mul3A_554 = arith.muli %arg1, %mul3A_553 : i32
      "tpu.region"() ({
        %run_scoped3A = tpu.sem_alloc : memref<!tpu.dma_semaphore, #tpu.memory_space<semaphore_mem>>
        %dma_start3A_555 = arith.constant 0 : i32
        %dma_start3A_556 = tpu.memref_slice %arg6[%mul3A_554, %dma_start3A_555] : memref<100x128xf32, #tpu.memory_space<vmem_shared>> -> memref<32x128xf32, #tpu.memory_space<vmem_shared>>
        %dma_start3A_557 = arith.constant 0 : i32
        %dma_start3A_558 = tpu.memref_slice %arg3[%mul3A_552, %dma_start3A_557] : memref<100x128xf32, #tpu.memory_space<hbm>> -> memref<32x128xf32, #tpu.memory_space<hbm>>
        tpu.enqueue_dma source(%dma_start3A_558 : memref<32x128xf32, #tpu.memory_space<hbm>>) target(%dma_start3A_556 : memref<32x128xf32, #tpu.memory_space<vmem_shared>>) target_semaphore(%run_scoped3A : memref<!tpu.dma_semaphore, #tpu.memory_space<semaphore_mem>>)
        %dma_wait3A_559 = arith.constant 0 : i32
        %dma_wait3A_560 = tpu.memref_slice %arg6[%mul3A_554, %dma_wait3A_559] : memref<100x128xf32, #tpu.memory_space<vmem_shared>> -> memref<32x128xf32, #tpu.memory_space<vmem_shared>>
        %dma_wait3A_561 = arith.constant 0 : i32
        %dma_wait3A_562 = tpu.memref_slice %arg3[%mul3A_552, %dma_wait3A_561] : memref<100x128xf32, #tpu.memory_space<hbm>> -> memref<32x128xf32, #tpu.memory_space<hbm>>
        tpu.wait_dma2 semaphore(%run_scoped3A : memref<!tpu.dma_semaphore, #tpu.memory_space<semaphore_mem>>) src(%dma_wait3A_562 : memref<32x128xf32, #tpu.memory_space<hbm>>) dst(%dma_wait3A_560 : memref<32x128xf32, #tpu.memory_space<vmem_shared>>)
        tpu.yield
      }) : () -> ()
    } else {
    }
    %eq3A = arith.constant 3 : i32
    %eq3A_92 = arith.cmpi eq, %arg1, %eq3A : i32
    %convert_element_type3A_93 = arith.extui %eq3A_92 : i1 to i32
    %cond3A_94 = arith.constant 0 : i32
    %cond3A_95 = arith.cmpi ne, %convert_element_type3A_93, %cond3A_94 : i32
    scf.if %cond3A_95 {
      "tpu.region"() ({
        %run_scoped3A = tpu.sem_alloc : memref<!tpu.dma_semaphore, #tpu.memory_space<semaphore_mem>>
        %dma_start3A_551 = arith.constant 96 : i32
        %dma_start3A_552 = arith.constant 0 : i32
        %dma_start3A_553 = tpu.memref_slice %arg6[%dma_start3A_551, %dma_start3A_552] : memref<100x128xf32, #tpu.memory_space<vmem_shared>> -> memref<4x128xf32, #tpu.memory_space<vmem_shared>>
        %dma_start3A_554 = arith.constant 96 : i32
        %dma_start3A_555 = arith.constant 0 : i32
        %dma_start3A_556 = tpu.memref_slice %arg3[%dma_start3A_554, %dma_start3A_555] : memref<100x128xf32, #tpu.memory_space<hbm>> -> memref<4x128xf32, #tpu.memory_space<hbm>>
        tpu.enqueue_dma source(%dma_start3A_556 : memref<4x128xf32, #tpu.memory_space<hbm>>) target(%dma_start3A_553 : memref<4x128xf32, #tpu.memory_space<vmem_shared>>) target_semaphore(%run_scoped3A : memref<!tpu.dma_semaphore, #tpu.memory_space<semaphore_mem>>)
        %dma_wait3A_557 = arith.constant 96 : i32
        %dma_wait3A_558 = arith.constant 0 : i32
        %dma_wait3A_559 = tpu.memref_slice %arg6[%dma_wait3A_557, %dma_wait3A_558] : memref<100x128xf32, #tpu.memory_space<vmem_shared>> -> memref<4x128xf32, #tpu.memory_space<vmem_shared>>
        %dma_wait3A_560 = arith.constant 96 : i32
        %dma_wait3A_561 = arith.constant 0 : i32
        %dma_wait3A_562 = tpu.memref_slice %arg3[%dma_wait3A_560, %dma_wait3A_561] : memref<100x128xf32, #tpu.memory_space<hbm>> -> memref<4x128xf32, #tpu.memory_space<hbm>>
        tpu.wait_dma2 semaphore(%run_scoped3A : memref<!tpu.dma_semaphore, #tpu.memory_space<semaphore_mem>>) src(%dma_wait3A_562 : memref<4x128xf32, #tpu.memory_space<hbm>>) dst(%dma_wait3A_559 : memref<4x128xf32, #tpu.memory_space<vmem_shared>>)
        tpu.yield
      }) : () -> ()
    } else {
    }
    %barrier3A = arith.constant 0 : index
    tpu.barrier barrier_id(%barrier3A)
    %dma_wait3A = arith.constant 0 : i32
    %dma_wait3A_96 = arith.constant 0 : i32
    %dma_wait3A_97 = tpu.memref_slice %arg5[%dma_wait3A, %dma_wait3A_96] : memref<8x64xi32, #tpu.memory_space<vmem>> -> memref<1x64xi32, #tpu.memory_space<vmem>>
    %dma_wait3A_98 = tpu.memref_squeeze %dma_wait3A_97 : memref<1x64xi32, #tpu.memory_space<vmem>> -> memref<64xi32, #tpu.memory_space<vmem>>
    %dma_wait3A_99 = tpu.memref_slice %arg2[%add3A_4] : memref<16384xi32, #tpu.memory_space<hbm>> -> memref<64xi32, #tpu.memory_space<hbm>>
    %dma_wait3A_100 = arith.constant 0 : i32
    %dma_wait3A_101 = tpu.memref_slice %arg5[%dma_wait3A, %dma_wait3A_100] : memref<8x64xi32, #tpu.memory_space<vmem>> -> memref<1x64xi32, #tpu.memory_space<vmem>>
    %dma_wait3A_102 = tpu.memref_squeeze %dma_wait3A_101 : memref<1x64xi32, #tpu.memory_space<vmem>> -> memref<64xi32, #tpu.memory_space<vmem>>
    %dma_wait3A_103 = tpu.memref_slice %arg2[%add3A_4] : memref<16384xi32, #tpu.memory_space<hbm>> -> memref<64xi32, #tpu.memory_space<hbm>>
    tpu.wait_dma2 semaphore(%arg10 : memref<!tpu.dma_semaphore, #tpu.memory_space<semaphore_mem>>) src(%dma_wait3A_103 : memref<64xi32, #tpu.memory_space<hbm>>) dst(%dma_wait3A_102 : memref<64xi32, #tpu.memory_space<vmem>>)
    %dma_start3A_104 = arith.constant 0 : i32
    %dma_start3A_105 = arith.constant 0 : i32
    %dma_start3A_106 = arith.constant 0 : i32
    %dma_start3A_107 = arith.constant 0 : i32
    %dma_start3A_108 = tpu.memref_slice %arg7[%dma_start3A_106, %dma_start3A_107] : memref<512x128xf32, #tpu.memory_space<vmem>> -> memref<64x128xf32, #tpu.memory_space<vmem>>
    %dma_start3A_109 = arith.constant 0 : i32
    %dma_start3A_110 = tpu.memref_slice %arg5[%dma_start3A_104, %dma_start3A_109] : memref<8x64xi32, #tpu.memory_space<vmem>> -> memref<1x64xi32, #tpu.memory_space<vmem>>
    %dma_start3A_111 = tpu.memref_squeeze %dma_start3A_110 : memref<1x64xi32, #tpu.memory_space<vmem>> -> memref<64xi32, #tpu.memory_space<vmem>>
    %dma_start3A_112 = arith.constant 0 : i32
    %dma_start3A_113 = arith.constant 0 : i32
    %dma_start3A_114 = tpu.memref_slice %arg6[%dma_start3A_112, %dma_start3A_113] : memref<100x128xf32, #tpu.memory_space<vmem_shared>> -> memref<100x128xf32, #tpu.memory_space<vmem_shared>>
    %dma_start3A_115 = tpu.memref_slice %arg8[%dma_start3A_105] : memref<8x!tpu.dma_semaphore, #tpu.memory_space<semaphore_mem>> -> memref<1x!tpu.dma_semaphore, #tpu.memory_space<semaphore_mem>>
    %dma_start3A_116 = tpu.memref_squeeze %dma_start3A_115 : memref<1x!tpu.dma_semaphore, #tpu.memory_space<semaphore_mem>> -> memref<!tpu.dma_semaphore, #tpu.memory_space<semaphore_mem>>
    tpu.enqueue_indirect_dma source(%dma_start3A_114 : memref<100x128xf32, #tpu.memory_space<vmem_shared>>) target(%dma_start3A_108 : memref<64x128xf32, #tpu.memory_space<vmem>>) offsets(%dma_start3A_111 : memref<64xi32, #tpu.memory_space<vmem>>) semaphore(%dma_start3A_116 : memref<!tpu.dma_semaphore, #tpu.memory_space<semaphore_mem>>)
    %dma_wait3A_117 = arith.constant 1 : i32
    %dma_wait3A_118 = arith.constant 0 : i32
    %dma_wait3A_119 = tpu.memref_slice %arg5[%dma_wait3A_117, %dma_wait3A_118] : memref<8x64xi32, #tpu.memory_space<vmem>> -> memref<1x64xi32, #tpu.memory_space<vmem>>
    %dma_wait3A_120 = tpu.memref_squeeze %dma_wait3A_119 : memref<1x64xi32, #tpu.memory_space<vmem>> -> memref<64xi32, #tpu.memory_space<vmem>>
    %dma_wait3A_121 = tpu.memref_slice %arg2[%add3A_14] : memref<16384xi32, #tpu.memory_space<hbm>> -> memref<64xi32, #tpu.memory_space<hbm>>
    %dma_wait3A_122 = arith.constant 0 : i32
    %dma_wait3A_123 = tpu.memref_slice %arg5[%dma_wait3A_117, %dma_wait3A_122] : memref<8x64xi32, #tpu.memory_space<vmem>> -> memref<1x64xi32, #tpu.memory_space<vmem>>
    %dma_wait3A_124 = tpu.memref_squeeze %dma_wait3A_123 : memref<1x64xi32, #tpu.memory_space<vmem>> -> memref<64xi32, #tpu.memory_space<vmem>>
    %dma_wait3A_125 = tpu.memref_slice %arg2[%add3A_14] : memref<16384xi32, #tpu.memory_space<hbm>> -> memref<64xi32, #tpu.memory_space<hbm>>
    tpu.wait_dma2 semaphore(%arg10 : memref<!tpu.dma_semaphore, #tpu.memory_space<semaphore_mem>>) src(%dma_wait3A_125 : memref<64xi32, #tpu.memory_space<hbm>>) dst(%dma_wait3A_124 : memref<64xi32, #tpu.memory_space<vmem>>)
    %dma_start3A_126 = arith.constant 1 : i32
    %dma_start3A_127 = arith.constant 1 : i32
    %dma_start3A_128 = arith.constant 64 : i32
    %dma_start3A_129 = arith.constant 0 : i32
    %dma_start3A_130 = tpu.memref_slice %arg7[%dma_start3A_128, %dma_start3A_129] : memref<512x128xf32, #tpu.memory_space<vmem>> -> memref<64x128xf32, #tpu.memory_space<vmem>>
    %dma_start3A_131 = arith.constant 0 : i32
    %dma_start3A_132 = tpu.memref_slice %arg5[%dma_start3A_126, %dma_start3A_131] : memref<8x64xi32, #tpu.memory_space<vmem>> -> memref<1x64xi32, #tpu.memory_space<vmem>>
    %dma_start3A_133 = tpu.memref_squeeze %dma_start3A_132 : memref<1x64xi32, #tpu.memory_space<vmem>> -> memref<64xi32, #tpu.memory_space<vmem>>
    %dma_start3A_134 = arith.constant 0 : i32
    %dma_start3A_135 = arith.constant 0 : i32
    %dma_start3A_136 = tpu.memref_slice %arg6[%dma_start3A_134, %dma_start3A_135] : memref<100x128xf32, #tpu.memory_space<vmem_shared>> -> memref<100x128xf32, #tpu.memory_space<vmem_shared>>
    %dma_start3A_137 = tpu.memref_slice %arg8[%dma_start3A_127] : memref<8x!tpu.dma_semaphore, #tpu.memory_space<semaphore_mem>> -> memref<1x!tpu.dma_semaphore, #tpu.memory_space<semaphore_mem>>
    %dma_start3A_138 = tpu.memref_squeeze %dma_start3A_137 : memref<1x!tpu.dma_semaphore, #tpu.memory_space<semaphore_mem>> -> memref<!tpu.dma_semaphore, #tpu.memory_space<semaphore_mem>>
    tpu.enqueue_indirect_dma source(%dma_start3A_136 : memref<100x128xf32, #tpu.memory_space<vmem_shared>>) target(%dma_start3A_130 : memref<64x128xf32, #tpu.memory_space<vmem>>) offsets(%dma_start3A_133 : memref<64xi32, #tpu.memory_space<vmem>>) semaphore(%dma_start3A_138 : memref<!tpu.dma_semaphore, #tpu.memory_space<semaphore_mem>>)
    %dma_wait3A_139 = arith.constant 2 : i32
    %dma_wait3A_140 = arith.constant 0 : i32
    %dma_wait3A_141 = tpu.memref_slice %arg5[%dma_wait3A_139, %dma_wait3A_140] : memref<8x64xi32, #tpu.memory_space<vmem>> -> memref<1x64xi32, #tpu.memory_space<vmem>>
    %dma_wait3A_142 = tpu.memref_squeeze %dma_wait3A_141 : memref<1x64xi32, #tpu.memory_space<vmem>> -> memref<64xi32, #tpu.memory_space<vmem>>
    %dma_wait3A_143 = tpu.memref_slice %arg2[%add3A_25] : memref<16384xi32, #tpu.memory_space<hbm>> -> memref<64xi32, #tpu.memory_space<hbm>>
    %dma_wait3A_144 = arith.constant 0 : i32
    %dma_wait3A_145 = tpu.memref_slice %arg5[%dma_wait3A_139, %dma_wait3A_144] : memref<8x64xi32, #tpu.memory_space<vmem>> -> memref<1x64xi32, #tpu.memory_space<vmem>>
    %dma_wait3A_146 = tpu.memref_squeeze %dma_wait3A_145 : memref<1x64xi32, #tpu.memory_space<vmem>> -> memref<64xi32, #tpu.memory_space<vmem>>
    %dma_wait3A_147 = tpu.memref_slice %arg2[%add3A_25] : memref<16384xi32, #tpu.memory_space<hbm>> -> memref<64xi32, #tpu.memory_space<hbm>>
    tpu.wait_dma2 semaphore(%arg10 : memref<!tpu.dma_semaphore, #tpu.memory_space<semaphore_mem>>) src(%dma_wait3A_147 : memref<64xi32, #tpu.memory_space<hbm>>) dst(%dma_wait3A_146 : memref<64xi32, #tpu.memory_space<vmem>>)
    %dma_start3A_148 = arith.constant 2 : i32
    %dma_start3A_149 = arith.constant 2 : i32
    %dma_start3A_150 = arith.constant 128 : i32
    %dma_start3A_151 = arith.constant 0 : i32
    %dma_start3A_152 = tpu.memref_slice %arg7[%dma_start3A_150, %dma_start3A_151] : memref<512x128xf32, #tpu.memory_space<vmem>> -> memref<64x128xf32, #tpu.memory_space<vmem>>
    %dma_start3A_153 = arith.constant 0 : i32
    %dma_start3A_154 = tpu.memref_slice %arg5[%dma_start3A_148, %dma_start3A_153] : memref<8x64xi32, #tpu.memory_space<vmem>> -> memref<1x64xi32, #tpu.memory_space<vmem>>
    %dma_start3A_155 = tpu.memref_squeeze %dma_start3A_154 : memref<1x64xi32, #tpu.memory_space<vmem>> -> memref<64xi32, #tpu.memory_space<vmem>>
    %dma_start3A_156 = arith.constant 0 : i32
    %dma_start3A_157 = arith.constant 0 : i32
    %dma_start3A_158 = tpu.memref_slice %arg6[%dma_start3A_156, %dma_start3A_157] : memref<100x128xf32, #tpu.memory_space<vmem_shared>> -> memref<100x128xf32, #tpu.memory_space<vmem_shared>>
    %dma_start3A_159 = tpu.memref_slice %arg8[%dma_start3A_149] : memref<8x!tpu.dma_semaphore, #tpu.memory_space<semaphore_mem>> -> memref<1x!tpu.dma_semaphore, #tpu.memory_space<semaphore_mem>>
    %dma_start3A_160 = tpu.memref_squeeze %dma_start3A_159 : memref<1x!tpu.dma_semaphore, #tpu.memory_space<semaphore_mem>> -> memref<!tpu.dma_semaphore, #tpu.memory_space<semaphore_mem>>
    tpu.enqueue_indirect_dma source(%dma_start3A_158 : memref<100x128xf32, #tpu.memory_space<vmem_shared>>) target(%dma_start3A_152 : memref<64x128xf32, #tpu.memory_space<vmem>>) offsets(%dma_start3A_155 : memref<64xi32, #tpu.memory_space<vmem>>) semaphore(%dma_start3A_160 : memref<!tpu.dma_semaphore, #tpu.memory_space<semaphore_mem>>)
    %dma_wait3A_161 = arith.constant 3 : i32
    %dma_wait3A_162 = arith.constant 0 : i32
    %dma_wait3A_163 = tpu.memref_slice %arg5[%dma_wait3A_161, %dma_wait3A_162] : memref<8x64xi32, #tpu.memory_space<vmem>> -> memref<1x64xi32, #tpu.memory_space<vmem>>
    %dma_wait3A_164 = tpu.memref_squeeze %dma_wait3A_163 : memref<1x64xi32, #tpu.memory_space<vmem>> -> memref<64xi32, #tpu.memory_space<vmem>>
    %dma_wait3A_165 = tpu.memref_slice %arg2[%add3A_36] : memref<16384xi32, #tpu.memory_space<hbm>> -> memref<64xi32, #tpu.memory_space<hbm>>
    %dma_wait3A_166 = arith.constant 0 : i32
    %dma_wait3A_167 = tpu.memref_slice %arg5[%dma_wait3A_161, %dma_wait3A_166] : memref<8x64xi32, #tpu.memory_space<vmem>> -> memref<1x64xi32, #tpu.memory_space<vmem>>
    %dma_wait3A_168 = tpu.memref_squeeze %dma_wait3A_167 : memref<1x64xi32, #tpu.memory_space<vmem>> -> memref<64xi32, #tpu.memory_space<vmem>>
    %dma_wait3A_169 = tpu.memref_slice %arg2[%add3A_36] : memref<16384xi32, #tpu.memory_space<hbm>> -> memref<64xi32, #tpu.memory_space<hbm>>
    tpu.wait_dma2 semaphore(%arg10 : memref<!tpu.dma_semaphore, #tpu.memory_space<semaphore_mem>>) src(%dma_wait3A_169 : memref<64xi32, #tpu.memory_space<hbm>>) dst(%dma_wait3A_168 : memref<64xi32, #tpu.memory_space<vmem>>)
    %dma_start3A_170 = arith.constant 3 : i32
    %dma_start3A_171 = arith.constant 3 : i32
    %dma_start3A_172 = arith.constant 192 : i32
    %dma_start3A_173 = arith.constant 0 : i32
    %dma_start3A_174 = tpu.memref_slice %arg7[%dma_start3A_172, %dma_start3A_173] : memref<512x128xf32, #tpu.memory_space<vmem>> -> memref<64x128xf32, #tpu.memory_space<vmem>>
    %dma_start3A_175 = arith.constant 0 : i32
    %dma_start3A_176 = tpu.memref_slice %arg5[%dma_start3A_170, %dma_start3A_175] : memref<8x64xi32, #tpu.memory_space<vmem>> -> memref<1x64xi32, #tpu.memory_space<vmem>>
    %dma_start3A_177 = tpu.memref_squeeze %dma_start3A_176 : memref<1x64xi32, #tpu.memory_space<vmem>> -> memref<64xi32, #tpu.memory_space<vmem>>
    %dma_start3A_178 = arith.constant 0 : i32
    %dma_start3A_179 = arith.constant 0 : i32
    %dma_start3A_180 = tpu.memref_slice %arg6[%dma_start3A_178, %dma_start3A_179] : memref<100x128xf32, #tpu.memory_space<vmem_shared>> -> memref<100x128xf32, #tpu.memory_space<vmem_shared>>
    %dma_start3A_181 = tpu.memref_slice %arg8[%dma_start3A_171] : memref<8x!tpu.dma_semaphore, #tpu.memory_space<semaphore_mem>> -> memref<1x!tpu.dma_semaphore, #tpu.memory_space<semaphore_mem>>
    %dma_start3A_182 = tpu.memref_squeeze %dma_start3A_181 : memref<1x!tpu.dma_semaphore, #tpu.memory_space<semaphore_mem>> -> memref<!tpu.dma_semaphore, #tpu.memory_space<semaphore_mem>>
    tpu.enqueue_indirect_dma source(%dma_start3A_180 : memref<100x128xf32, #tpu.memory_space<vmem_shared>>) target(%dma_start3A_174 : memref<64x128xf32, #tpu.memory_space<vmem>>) offsets(%dma_start3A_177 : memref<64xi32, #tpu.memory_space<vmem>>) semaphore(%dma_start3A_182 : memref<!tpu.dma_semaphore, #tpu.memory_space<semaphore_mem>>)
    %dma_wait3A_183 = arith.constant 4 : i32
    %dma_wait3A_184 = arith.constant 0 : i32
    %dma_wait3A_185 = tpu.memref_slice %arg5[%dma_wait3A_183, %dma_wait3A_184] : memref<8x64xi32, #tpu.memory_space<vmem>> -> memref<1x64xi32, #tpu.memory_space<vmem>>
    %dma_wait3A_186 = tpu.memref_squeeze %dma_wait3A_185 : memref<1x64xi32, #tpu.memory_space<vmem>> -> memref<64xi32, #tpu.memory_space<vmem>>
    %dma_wait3A_187 = tpu.memref_slice %arg2[%add3A_47] : memref<16384xi32, #tpu.memory_space<hbm>> -> memref<64xi32, #tpu.memory_space<hbm>>
    %dma_wait3A_188 = arith.constant 0 : i32
    %dma_wait3A_189 = tpu.memref_slice %arg5[%dma_wait3A_183, %dma_wait3A_188] : memref<8x64xi32, #tpu.memory_space<vmem>> -> memref<1x64xi32, #tpu.memory_space<vmem>>
    %dma_wait3A_190 = tpu.memref_squeeze %dma_wait3A_189 : memref<1x64xi32, #tpu.memory_space<vmem>> -> memref<64xi32, #tpu.memory_space<vmem>>
    %dma_wait3A_191 = tpu.memref_slice %arg2[%add3A_47] : memref<16384xi32, #tpu.memory_space<hbm>> -> memref<64xi32, #tpu.memory_space<hbm>>
    tpu.wait_dma2 semaphore(%arg10 : memref<!tpu.dma_semaphore, #tpu.memory_space<semaphore_mem>>) src(%dma_wait3A_191 : memref<64xi32, #tpu.memory_space<hbm>>) dst(%dma_wait3A_190 : memref<64xi32, #tpu.memory_space<vmem>>)
    %dma_start3A_192 = arith.constant 4 : i32
    %dma_start3A_193 = arith.constant 4 : i32
    %dma_start3A_194 = arith.constant 256 : i32
    %dma_start3A_195 = arith.constant 0 : i32
    %dma_start3A_196 = tpu.memref_slice %arg7[%dma_start3A_194, %dma_start3A_195] : memref<512x128xf32, #tpu.memory_space<vmem>> -> memref<64x128xf32, #tpu.memory_space<vmem>>
    %dma_start3A_197 = arith.constant 0 : i32
    %dma_start3A_198 = tpu.memref_slice %arg5[%dma_start3A_192, %dma_start3A_197] : memref<8x64xi32, #tpu.memory_space<vmem>> -> memref<1x64xi32, #tpu.memory_space<vmem>>
    %dma_start3A_199 = tpu.memref_squeeze %dma_start3A_198 : memref<1x64xi32, #tpu.memory_space<vmem>> -> memref<64xi32, #tpu.memory_space<vmem>>
    %dma_start3A_200 = arith.constant 0 : i32
    %dma_start3A_201 = arith.constant 0 : i32
    %dma_start3A_202 = tpu.memref_slice %arg6[%dma_start3A_200, %dma_start3A_201] : memref<100x128xf32, #tpu.memory_space<vmem_shared>> -> memref<100x128xf32, #tpu.memory_space<vmem_shared>>
    %dma_start3A_203 = tpu.memref_slice %arg8[%dma_start3A_193] : memref<8x!tpu.dma_semaphore, #tpu.memory_space<semaphore_mem>> -> memref<1x!tpu.dma_semaphore, #tpu.memory_space<semaphore_mem>>
    %dma_start3A_204 = tpu.memref_squeeze %dma_start3A_203 : memref<1x!tpu.dma_semaphore, #tpu.memory_space<semaphore_mem>> -> memref<!tpu.dma_semaphore, #tpu.memory_space<semaphore_mem>>
    tpu.enqueue_indirect_dma source(%dma_start3A_202 : memref<100x128xf32, #tpu.memory_space<vmem_shared>>) target(%dma_start3A_196 : memref<64x128xf32, #tpu.memory_space<vmem>>) offsets(%dma_start3A_199 : memref<64xi32, #tpu.memory_space<vmem>>) semaphore(%dma_start3A_204 : memref<!tpu.dma_semaphore, #tpu.memory_space<semaphore_mem>>)
    %dma_wait3A_205 = arith.constant 5 : i32
    %dma_wait3A_206 = arith.constant 0 : i32
    %dma_wait3A_207 = tpu.memref_slice %arg5[%dma_wait3A_205, %dma_wait3A_206] : memref<8x64xi32, #tpu.memory_space<vmem>> -> memref<1x64xi32, #tpu.memory_space<vmem>>
    %dma_wait3A_208 = tpu.memref_squeeze %dma_wait3A_207 : memref<1x64xi32, #tpu.memory_space<vmem>> -> memref<64xi32, #tpu.memory_space<vmem>>
    %dma_wait3A_209 = tpu.memref_slice %arg2[%add3A_58] : memref<16384xi32, #tpu.memory_space<hbm>> -> memref<64xi32, #tpu.memory_space<hbm>>
    %dma_wait3A_210 = arith.constant 0 : i32
    %dma_wait3A_211 = tpu.memref_slice %arg5[%dma_wait3A_205, %dma_wait3A_210] : memref<8x64xi32, #tpu.memory_space<vmem>> -> memref<1x64xi32, #tpu.memory_space<vmem>>
    %dma_wait3A_212 = tpu.memref_squeeze %dma_wait3A_211 : memref<1x64xi32, #tpu.memory_space<vmem>> -> memref<64xi32, #tpu.memory_space<vmem>>
    %dma_wait3A_213 = tpu.memref_slice %arg2[%add3A_58] : memref<16384xi32, #tpu.memory_space<hbm>> -> memref<64xi32, #tpu.memory_space<hbm>>
    tpu.wait_dma2 semaphore(%arg10 : memref<!tpu.dma_semaphore, #tpu.memory_space<semaphore_mem>>) src(%dma_wait3A_213 : memref<64xi32, #tpu.memory_space<hbm>>) dst(%dma_wait3A_212 : memref<64xi32, #tpu.memory_space<vmem>>)
    %dma_start3A_214 = arith.constant 5 : i32
    %dma_start3A_215 = arith.constant 5 : i32
    %dma_start3A_216 = arith.constant 320 : i32
    %dma_start3A_217 = arith.constant 0 : i32
    %dma_start3A_218 = tpu.memref_slice %arg7[%dma_start3A_216, %dma_start3A_217] : memref<512x128xf32, #tpu.memory_space<vmem>> -> memref<64x128xf32, #tpu.memory_space<vmem>>
    %dma_start3A_219 = arith.constant 0 : i32
    %dma_start3A_220 = tpu.memref_slice %arg5[%dma_start3A_214, %dma_start3A_219] : memref<8x64xi32, #tpu.memory_space<vmem>> -> memref<1x64xi32, #tpu.memory_space<vmem>>
    %dma_start3A_221 = tpu.memref_squeeze %dma_start3A_220 : memref<1x64xi32, #tpu.memory_space<vmem>> -> memref<64xi32, #tpu.memory_space<vmem>>
    %dma_start3A_222 = arith.constant 0 : i32
    %dma_start3A_223 = arith.constant 0 : i32
    %dma_start3A_224 = tpu.memref_slice %arg6[%dma_start3A_222, %dma_start3A_223] : memref<100x128xf32, #tpu.memory_space<vmem_shared>> -> memref<100x128xf32, #tpu.memory_space<vmem_shared>>
    %dma_start3A_225 = tpu.memref_slice %arg8[%dma_start3A_215] : memref<8x!tpu.dma_semaphore, #tpu.memory_space<semaphore_mem>> -> memref<1x!tpu.dma_semaphore, #tpu.memory_space<semaphore_mem>>
    %dma_start3A_226 = tpu.memref_squeeze %dma_start3A_225 : memref<1x!tpu.dma_semaphore, #tpu.memory_space<semaphore_mem>> -> memref<!tpu.dma_semaphore, #tpu.memory_space<semaphore_mem>>
    tpu.enqueue_indirect_dma source(%dma_start3A_224 : memref<100x128xf32, #tpu.memory_space<vmem_shared>>) target(%dma_start3A_218 : memref<64x128xf32, #tpu.memory_space<vmem>>) offsets(%dma_start3A_221 : memref<64xi32, #tpu.memory_space<vmem>>) semaphore(%dma_start3A_226 : memref<!tpu.dma_semaphore, #tpu.memory_space<semaphore_mem>>)
    %dma_wait3A_227 = arith.constant 6 : i32
    %dma_wait3A_228 = arith.constant 0 : i32
    %dma_wait3A_229 = tpu.memref_slice %arg5[%dma_wait3A_227, %dma_wait3A_228] : memref<8x64xi32, #tpu.memory_space<vmem>> -> memref<1x64xi32, #tpu.memory_space<vmem>>
    %dma_wait3A_230 = tpu.memref_squeeze %dma_wait3A_229 : memref<1x64xi32, #tpu.memory_space<vmem>> -> memref<64xi32, #tpu.memory_space<vmem>>
    %dma_wait3A_231 = tpu.memref_slice %arg2[%add3A_69] : memref<16384xi32, #tpu.memory_space<hbm>> -> memref<64xi32, #tpu.memory_space<hbm>>
    %dma_wait3A_232 = arith.constant 0 : i32
    %dma_wait3A_233 = tpu.memref_slice %arg5[%dma_wait3A_227, %dma_wait3A_232] : memref<8x64xi32, #tpu.memory_space<vmem>> -> memref<1x64xi32, #tpu.memory_space<vmem>>
    %dma_wait3A_234 = tpu.memref_squeeze %dma_wait3A_233 : memref<1x64xi32, #tpu.memory_space<vmem>> -> memref<64xi32, #tpu.memory_space<vmem>>
    %dma_wait3A_235 = tpu.memref_slice %arg2[%add3A_69] : memref<16384xi32, #tpu.memory_space<hbm>> -> memref<64xi32, #tpu.memory_space<hbm>>
    tpu.wait_dma2 semaphore(%arg10 : memref<!tpu.dma_semaphore, #tpu.memory_space<semaphore_mem>>) src(%dma_wait3A_235 : memref<64xi32, #tpu.memory_space<hbm>>) dst(%dma_wait3A_234 : memref<64xi32, #tpu.memory_space<vmem>>)
    %dma_start3A_236 = arith.constant 6 : i32
    %dma_start3A_237 = arith.constant 6 : i32
    %dma_start3A_238 = arith.constant 384 : i32
    %dma_start3A_239 = arith.constant 0 : i32
    %dma_start3A_240 = tpu.memref_slice %arg7[%dma_start3A_238, %dma_start3A_239] : memref<512x128xf32, #tpu.memory_space<vmem>> -> memref<64x128xf32, #tpu.memory_space<vmem>>
    %dma_start3A_241 = arith.constant 0 : i32
    %dma_start3A_242 = tpu.memref_slice %arg5[%dma_start3A_236, %dma_start3A_241] : memref<8x64xi32, #tpu.memory_space<vmem>> -> memref<1x64xi32, #tpu.memory_space<vmem>>
    %dma_start3A_243 = tpu.memref_squeeze %dma_start3A_242 : memref<1x64xi32, #tpu.memory_space<vmem>> -> memref<64xi32, #tpu.memory_space<vmem>>
    %dma_start3A_244 = arith.constant 0 : i32
    %dma_start3A_245 = arith.constant 0 : i32
    %dma_start3A_246 = tpu.memref_slice %arg6[%dma_start3A_244, %dma_start3A_245] : memref<100x128xf32, #tpu.memory_space<vmem_shared>> -> memref<100x128xf32, #tpu.memory_space<vmem_shared>>
    %dma_start3A_247 = tpu.memref_slice %arg8[%dma_start3A_237] : memref<8x!tpu.dma_semaphore, #tpu.memory_space<semaphore_mem>> -> memref<1x!tpu.dma_semaphore, #tpu.memory_space<semaphore_mem>>
    %dma_start3A_248 = tpu.memref_squeeze %dma_start3A_247 : memref<1x!tpu.dma_semaphore, #tpu.memory_space<semaphore_mem>> -> memref<!tpu.dma_semaphore, #tpu.memory_space<semaphore_mem>>
    tpu.enqueue_indirect_dma source(%dma_start3A_246 : memref<100x128xf32, #tpu.memory_space<vmem_shared>>) target(%dma_start3A_240 : memref<64x128xf32, #tpu.memory_space<vmem>>) offsets(%dma_start3A_243 : memref<64xi32, #tpu.memory_space<vmem>>) semaphore(%dma_start3A_248 : memref<!tpu.dma_semaphore, #tpu.memory_space<semaphore_mem>>)
    %dma_wait3A_249 = arith.constant 7 : i32
    %dma_wait3A_250 = arith.constant 0 : i32
    %dma_wait3A_251 = tpu.memref_slice %arg5[%dma_wait3A_249, %dma_wait3A_250] : memref<8x64xi32, #tpu.memory_space<vmem>> -> memref<1x64xi32, #tpu.memory_space<vmem>>
    %dma_wait3A_252 = tpu.memref_squeeze %dma_wait3A_251 : memref<1x64xi32, #tpu.memory_space<vmem>> -> memref<64xi32, #tpu.memory_space<vmem>>
    %dma_wait3A_253 = tpu.memref_slice %arg2[%add3A_80] : memref<16384xi32, #tpu.memory_space<hbm>> -> memref<64xi32, #tpu.memory_space<hbm>>
    %dma_wait3A_254 = arith.constant 0 : i32
    %dma_wait3A_255 = tpu.memref_slice %arg5[%dma_wait3A_249, %dma_wait3A_254] : memref<8x64xi32, #tpu.memory_space<vmem>> -> memref<1x64xi32, #tpu.memory_space<vmem>>
    %dma_wait3A_256 = tpu.memref_squeeze %dma_wait3A_255 : memref<1x64xi32, #tpu.memory_space<vmem>> -> memref<64xi32, #tpu.memory_space<vmem>>
    %dma_wait3A_257 = tpu.memref_slice %arg2[%add3A_80] : memref<16384xi32, #tpu.memory_space<hbm>> -> memref<64xi32, #tpu.memory_space<hbm>>
    tpu.wait_dma2 semaphore(%arg10 : memref<!tpu.dma_semaphore, #tpu.memory_space<semaphore_mem>>) src(%dma_wait3A_257 : memref<64xi32, #tpu.memory_space<hbm>>) dst(%dma_wait3A_256 : memref<64xi32, #tpu.memory_space<vmem>>)
    %dma_start3A_258 = arith.constant 7 : i32
    %dma_start3A_259 = arith.constant 7 : i32
    %dma_start3A_260 = arith.constant 448 : i32
    %dma_start3A_261 = arith.constant 0 : i32
    %dma_start3A_262 = tpu.memref_slice %arg7[%dma_start3A_260, %dma_start3A_261] : memref<512x128xf32, #tpu.memory_space<vmem>> -> memref<64x128xf32, #tpu.memory_space<vmem>>
    %dma_start3A_263 = arith.constant 0 : i32
    %dma_start3A_264 = tpu.memref_slice %arg5[%dma_start3A_258, %dma_start3A_263] : memref<8x64xi32, #tpu.memory_space<vmem>> -> memref<1x64xi32, #tpu.memory_space<vmem>>
    %dma_start3A_265 = tpu.memref_squeeze %dma_start3A_264 : memref<1x64xi32, #tpu.memory_space<vmem>> -> memref<64xi32, #tpu.memory_space<vmem>>
    %dma_start3A_266 = arith.constant 0 : i32
    %dma_start3A_267 = arith.constant 0 : i32
    %dma_start3A_268 = tpu.memref_slice %arg6[%dma_start3A_266, %dma_start3A_267] : memref<100x128xf32, #tpu.memory_space<vmem_shared>> -> memref<100x128xf32, #tpu.memory_space<vmem_shared>>
    %dma_start3A_269 = tpu.memref_slice %arg8[%dma_start3A_259] : memref<8x!tpu.dma_semaphore, #tpu.memory_space<semaphore_mem>> -> memref<1x!tpu.dma_semaphore, #tpu.memory_space<semaphore_mem>>
    %dma_start3A_270 = tpu.memref_squeeze %dma_start3A_269 : memref<1x!tpu.dma_semaphore, #tpu.memory_space<semaphore_mem>> -> memref<!tpu.dma_semaphore, #tpu.memory_space<semaphore_mem>>
    tpu.enqueue_indirect_dma source(%dma_start3A_268 : memref<100x128xf32, #tpu.memory_space<vmem_shared>>) target(%dma_start3A_262 : memref<64x128xf32, #tpu.memory_space<vmem>>) offsets(%dma_start3A_265 : memref<64xi32, #tpu.memory_space<vmem>>) semaphore(%dma_start3A_270 : memref<!tpu.dma_semaphore, #tpu.memory_space<semaphore_mem>>)
    %dma_wait3A_271 = arith.constant 0 : i32
    %dma_wait3A_272 = arith.constant 0 : i32
    %dma_wait3A_273 = arith.constant 0 : i32
    %dma_wait3A_274 = arith.constant 0 : i32
    %dma_wait3A_275 = tpu.memref_slice %arg7[%dma_wait3A_273, %dma_wait3A_274] : memref<512x128xf32, #tpu.memory_space<vmem>> -> memref<64x128xf32, #tpu.memory_space<vmem>>
    %dma_wait3A_276 = arith.constant 0 : i32
    %dma_wait3A_277 = tpu.memref_slice %arg5[%dma_wait3A_271, %dma_wait3A_276] : memref<8x64xi32, #tpu.memory_space<vmem>> -> memref<1x64xi32, #tpu.memory_space<vmem>>
    %dma_wait3A_278 = tpu.memref_squeeze %dma_wait3A_277 : memref<1x64xi32, #tpu.memory_space<vmem>> -> memref<64xi32, #tpu.memory_space<vmem>>
    %dma_wait3A_279 = arith.constant 0 : i32
    %dma_wait3A_280 = arith.constant 0 : i32
    %dma_wait3A_281 = tpu.memref_slice %arg6[%dma_wait3A_279, %dma_wait3A_280] : memref<100x128xf32, #tpu.memory_space<vmem_shared>> -> memref<100x128xf32, #tpu.memory_space<vmem_shared>>
    %dma_wait3A_282 = tpu.memref_slice %arg8[%dma_wait3A_272] : memref<8x!tpu.dma_semaphore, #tpu.memory_space<semaphore_mem>> -> memref<1x!tpu.dma_semaphore, #tpu.memory_space<semaphore_mem>>
    %dma_wait3A_283 = tpu.memref_squeeze %dma_wait3A_282 : memref<1x!tpu.dma_semaphore, #tpu.memory_space<semaphore_mem>> -> memref<!tpu.dma_semaphore, #tpu.memory_space<semaphore_mem>>
    tpu.wait_indirect_dma semaphore(%dma_wait3A_283 : memref<!tpu.dma_semaphore, #tpu.memory_space<semaphore_mem>>) src(%dma_wait3A_281 : memref<100x128xf32, #tpu.memory_space<vmem_shared>>) dst(%dma_wait3A_275 : memref<64x128xf32, #tpu.memory_space<vmem>>)
    %add3A_284 = arith.constant 0 : i32
    %add3A_285 = arith.addi %mul3A_2, %add3A_284 : i32
    %dma_start3A_286 = arith.constant 0 : i32
    %dma_start3A_287 = arith.constant 0 : i32
    %dma_start3A_288 = tpu.memref_slice %arg7[%dma_start3A_286, %dma_start3A_287] : memref<512x128xf32, #tpu.memory_space<vmem>> -> memref<64x128xf32, #tpu.memory_space<vmem>>
    %dma_start3A_289 = arith.constant 0 : i32
    %dma_start3A_290 = tpu.memref_slice %arg4[%add3A_285, %dma_start3A_289] : memref<16384x128xf32, #tpu.memory_space<hbm>> -> memref<64x128xf32, #tpu.memory_space<hbm>>
    %dma_start3A_291 = arith.constant 0 : i32
    %dma_start3A_292 = tpu.memref_slice %arg4[%add3A_285, %dma_start3A_291] : memref<16384x128xf32, #tpu.memory_space<hbm>> -> memref<64x128xf32, #tpu.memory_space<hbm>>
    %dma_start3A_293 = arith.constant 0 : i32
    %dma_start3A_294 = arith.constant 0 : i32
    %dma_start3A_295 = tpu.memref_slice %arg7[%dma_start3A_293, %dma_start3A_294] : memref<512x128xf32, #tpu.memory_space<vmem>> -> memref<64x128xf32, #tpu.memory_space<vmem>>
    tpu.enqueue_dma source(%dma_start3A_295 : memref<64x128xf32, #tpu.memory_space<vmem>>) target(%dma_start3A_292 : memref<64x128xf32, #tpu.memory_space<hbm>>) target_semaphore(%arg9 : memref<!tpu.dma_semaphore, #tpu.memory_space<semaphore_mem>>)
    %dma_wait3A_296 = arith.constant 1 : i32
    %dma_wait3A_297 = arith.constant 1 : i32
    %dma_wait3A_298 = arith.constant 64 : i32
    %dma_wait3A_299 = arith.constant 0 : i32
    %dma_wait3A_300 = tpu.memref_slice %arg7[%dma_wait3A_298, %dma_wait3A_299] : memref<512x128xf32, #tpu.memory_space<vmem>> -> memref<64x128xf32, #tpu.memory_space<vmem>>
    %dma_wait3A_301 = arith.constant 0 : i32
    %dma_wait3A_302 = tpu.memref_slice %arg5[%dma_wait3A_296, %dma_wait3A_301] : memref<8x64xi32, #tpu.memory_space<vmem>> -> memref<1x64xi32, #tpu.memory_space<vmem>>
    %dma_wait3A_303 = tpu.memref_squeeze %dma_wait3A_302 : memref<1x64xi32, #tpu.memory_space<vmem>> -> memref<64xi32, #tpu.memory_space<vmem>>
    %dma_wait3A_304 = arith.constant 0 : i32
    %dma_wait3A_305 = arith.constant 0 : i32
    %dma_wait3A_306 = tpu.memref_slice %arg6[%dma_wait3A_304, %dma_wait3A_305] : memref<100x128xf32, #tpu.memory_space<vmem_shared>> -> memref<100x128xf32, #tpu.memory_space<vmem_shared>>
    %dma_wait3A_307 = tpu.memref_slice %arg8[%dma_wait3A_297] : memref<8x!tpu.dma_semaphore, #tpu.memory_space<semaphore_mem>> -> memref<1x!tpu.dma_semaphore, #tpu.memory_space<semaphore_mem>>
    %dma_wait3A_308 = tpu.memref_squeeze %dma_wait3A_307 : memref<1x!tpu.dma_semaphore, #tpu.memory_space<semaphore_mem>> -> memref<!tpu.dma_semaphore, #tpu.memory_space<semaphore_mem>>
    tpu.wait_indirect_dma semaphore(%dma_wait3A_308 : memref<!tpu.dma_semaphore, #tpu.memory_space<semaphore_mem>>) src(%dma_wait3A_306 : memref<100x128xf32, #tpu.memory_space<vmem_shared>>) dst(%dma_wait3A_300 : memref<64x128xf32, #tpu.memory_space<vmem>>)
    %add3A_309 = arith.constant 64 : i32
    %add3A_310 = arith.addi %mul3A_2, %add3A_309 : i32
    %dma_start3A_311 = arith.constant 64 : i32
    %dma_start3A_312 = arith.constant 0 : i32
    %dma_start3A_313 = tpu.memref_slice %arg7[%dma_start3A_311, %dma_start3A_312] : memref<512x128xf32, #tpu.memory_space<vmem>> -> memref<64x128xf32, #tpu.memory_space<vmem>>
    %dma_start3A_314 = arith.constant 0 : i32
    %dma_start3A_315 = tpu.memref_slice %arg4[%add3A_310, %dma_start3A_314] : memref<16384x128xf32, #tpu.memory_space<hbm>> -> memref<64x128xf32, #tpu.memory_space<hbm>>
    %dma_start3A_316 = arith.constant 0 : i32
    %dma_start3A_317 = tpu.memref_slice %arg4[%add3A_310, %dma_start3A_316] : memref<16384x128xf32, #tpu.memory_space<hbm>> -> memref<64x128xf32, #tpu.memory_space<hbm>>
    %dma_start3A_318 = arith.constant 64 : i32
    %dma_start3A_319 = arith.constant 0 : i32
    %dma_start3A_320 = tpu.memref_slice %arg7[%dma_start3A_318, %dma_start3A_319] : memref<512x128xf32, #tpu.memory_space<vmem>> -> memref<64x128xf32, #tpu.memory_space<vmem>>
    tpu.enqueue_dma source(%dma_start3A_320 : memref<64x128xf32, #tpu.memory_space<vmem>>) target(%dma_start3A_317 : memref<64x128xf32, #tpu.memory_space<hbm>>) target_semaphore(%arg9 : memref<!tpu.dma_semaphore, #tpu.memory_space<semaphore_mem>>)
    %dma_wait3A_321 = arith.constant 2 : i32
    %dma_wait3A_322 = arith.constant 2 : i32
    %dma_wait3A_323 = arith.constant 128 : i32
    %dma_wait3A_324 = arith.constant 0 : i32
    %dma_wait3A_325 = tpu.memref_slice %arg7[%dma_wait3A_323, %dma_wait3A_324] : memref<512x128xf32, #tpu.memory_space<vmem>> -> memref<64x128xf32, #tpu.memory_space<vmem>>
    %dma_wait3A_326 = arith.constant 0 : i32
    %dma_wait3A_327 = tpu.memref_slice %arg5[%dma_wait3A_321, %dma_wait3A_326] : memref<8x64xi32, #tpu.memory_space<vmem>> -> memref<1x64xi32, #tpu.memory_space<vmem>>
    %dma_wait3A_328 = tpu.memref_squeeze %dma_wait3A_327 : memref<1x64xi32, #tpu.memory_space<vmem>> -> memref<64xi32, #tpu.memory_space<vmem>>
    %dma_wait3A_329 = arith.constant 0 : i32
    %dma_wait3A_330 = arith.constant 0 : i32
    %dma_wait3A_331 = tpu.memref_slice %arg6[%dma_wait3A_329, %dma_wait3A_330] : memref<100x128xf32, #tpu.memory_space<vmem_shared>> -> memref<100x128xf32, #tpu.memory_space<vmem_shared>>
    %dma_wait3A_332 = tpu.memref_slice %arg8[%dma_wait3A_322] : memref<8x!tpu.dma_semaphore, #tpu.memory_space<semaphore_mem>> -> memref<1x!tpu.dma_semaphore, #tpu.memory_space<semaphore_mem>>
    %dma_wait3A_333 = tpu.memref_squeeze %dma_wait3A_332 : memref<1x!tpu.dma_semaphore, #tpu.memory_space<semaphore_mem>> -> memref<!tpu.dma_semaphore, #tpu.memory_space<semaphore_mem>>
    tpu.wait_indirect_dma semaphore(%dma_wait3A_333 : memref<!tpu.dma_semaphore, #tpu.memory_space<semaphore_mem>>) src(%dma_wait3A_331 : memref<100x128xf32, #tpu.memory_space<vmem_shared>>) dst(%dma_wait3A_325 : memref<64x128xf32, #tpu.memory_space<vmem>>)
    %add3A_334 = arith.constant 128 : i32
    %add3A_335 = arith.addi %mul3A_2, %add3A_334 : i32
    %dma_start3A_336 = arith.constant 128 : i32
    %dma_start3A_337 = arith.constant 0 : i32
    %dma_start3A_338 = tpu.memref_slice %arg7[%dma_start3A_336, %dma_start3A_337] : memref<512x128xf32, #tpu.memory_space<vmem>> -> memref<64x128xf32, #tpu.memory_space<vmem>>
    %dma_start3A_339 = arith.constant 0 : i32
    %dma_start3A_340 = tpu.memref_slice %arg4[%add3A_335, %dma_start3A_339] : memref<16384x128xf32, #tpu.memory_space<hbm>> -> memref<64x128xf32, #tpu.memory_space<hbm>>
    %dma_start3A_341 = arith.constant 0 : i32
    %dma_start3A_342 = tpu.memref_slice %arg4[%add3A_335, %dma_start3A_341] : memref<16384x128xf32, #tpu.memory_space<hbm>> -> memref<64x128xf32, #tpu.memory_space<hbm>>
    %dma_start3A_343 = arith.constant 128 : i32
    %dma_start3A_344 = arith.constant 0 : i32
    %dma_start3A_345 = tpu.memref_slice %arg7[%dma_start3A_343, %dma_start3A_344] : memref<512x128xf32, #tpu.memory_space<vmem>> -> memref<64x128xf32, #tpu.memory_space<vmem>>
    tpu.enqueue_dma source(%dma_start3A_345 : memref<64x128xf32, #tpu.memory_space<vmem>>) target(%dma_start3A_342 : memref<64x128xf32, #tpu.memory_space<hbm>>) target_semaphore(%arg9 : memref<!tpu.dma_semaphore, #tpu.memory_space<semaphore_mem>>)
    %dma_wait3A_346 = arith.constant 3 : i32
    %dma_wait3A_347 = arith.constant 3 : i32
    %dma_wait3A_348 = arith.constant 192 : i32
    %dma_wait3A_349 = arith.constant 0 : i32
    %dma_wait3A_350 = tpu.memref_slice %arg7[%dma_wait3A_348, %dma_wait3A_349] : memref<512x128xf32, #tpu.memory_space<vmem>> -> memref<64x128xf32, #tpu.memory_space<vmem>>
    %dma_wait3A_351 = arith.constant 0 : i32
    %dma_wait3A_352 = tpu.memref_slice %arg5[%dma_wait3A_346, %dma_wait3A_351] : memref<8x64xi32, #tpu.memory_space<vmem>> -> memref<1x64xi32, #tpu.memory_space<vmem>>
    %dma_wait3A_353 = tpu.memref_squeeze %dma_wait3A_352 : memref<1x64xi32, #tpu.memory_space<vmem>> -> memref<64xi32, #tpu.memory_space<vmem>>
    %dma_wait3A_354 = arith.constant 0 : i32
    %dma_wait3A_355 = arith.constant 0 : i32
    %dma_wait3A_356 = tpu.memref_slice %arg6[%dma_wait3A_354, %dma_wait3A_355] : memref<100x128xf32, #tpu.memory_space<vmem_shared>> -> memref<100x128xf32, #tpu.memory_space<vmem_shared>>
    %dma_wait3A_357 = tpu.memref_slice %arg8[%dma_wait3A_347] : memref<8x!tpu.dma_semaphore, #tpu.memory_space<semaphore_mem>> -> memref<1x!tpu.dma_semaphore, #tpu.memory_space<semaphore_mem>>
    %dma_wait3A_358 = tpu.memref_squeeze %dma_wait3A_357 : memref<1x!tpu.dma_semaphore, #tpu.memory_space<semaphore_mem>> -> memref<!tpu.dma_semaphore, #tpu.memory_space<semaphore_mem>>
    tpu.wait_indirect_dma semaphore(%dma_wait3A_358 : memref<!tpu.dma_semaphore, #tpu.memory_space<semaphore_mem>>) src(%dma_wait3A_356 : memref<100x128xf32, #tpu.memory_space<vmem_shared>>) dst(%dma_wait3A_350 : memref<64x128xf32, #tpu.memory_space<vmem>>)
    %add3A_359 = arith.constant 192 : i32
    %add3A_360 = arith.addi %mul3A_2, %add3A_359 : i32
    %dma_start3A_361 = arith.constant 192 : i32
    %dma_start3A_362 = arith.constant 0 : i32
    %dma_start3A_363 = tpu.memref_slice %arg7[%dma_start3A_361, %dma_start3A_362] : memref<512x128xf32, #tpu.memory_space<vmem>> -> memref<64x128xf32, #tpu.memory_space<vmem>>
    %dma_start3A_364 = arith.constant 0 : i32
    %dma_start3A_365 = tpu.memref_slice %arg4[%add3A_360, %dma_start3A_364] : memref<16384x128xf32, #tpu.memory_space<hbm>> -> memref<64x128xf32, #tpu.memory_space<hbm>>
    %dma_start3A_366 = arith.constant 0 : i32
    %dma_start3A_367 = tpu.memref_slice %arg4[%add3A_360, %dma_start3A_366] : memref<16384x128xf32, #tpu.memory_space<hbm>> -> memref<64x128xf32, #tpu.memory_space<hbm>>
    %dma_start3A_368 = arith.constant 192 : i32
    %dma_start3A_369 = arith.constant 0 : i32
    %dma_start3A_370 = tpu.memref_slice %arg7[%dma_start3A_368, %dma_start3A_369] : memref<512x128xf32, #tpu.memory_space<vmem>> -> memref<64x128xf32, #tpu.memory_space<vmem>>
    tpu.enqueue_dma source(%dma_start3A_370 : memref<64x128xf32, #tpu.memory_space<vmem>>) target(%dma_start3A_367 : memref<64x128xf32, #tpu.memory_space<hbm>>) target_semaphore(%arg9 : memref<!tpu.dma_semaphore, #tpu.memory_space<semaphore_mem>>)
    %dma_wait3A_371 = arith.constant 4 : i32
    %dma_wait3A_372 = arith.constant 4 : i32
    %dma_wait3A_373 = arith.constant 256 : i32
    %dma_wait3A_374 = arith.constant 0 : i32
    %dma_wait3A_375 = tpu.memref_slice %arg7[%dma_wait3A_373, %dma_wait3A_374] : memref<512x128xf32, #tpu.memory_space<vmem>> -> memref<64x128xf32, #tpu.memory_space<vmem>>
    %dma_wait3A_376 = arith.constant 0 : i32
    %dma_wait3A_377 = tpu.memref_slice %arg5[%dma_wait3A_371, %dma_wait3A_376] : memref<8x64xi32, #tpu.memory_space<vmem>> -> memref<1x64xi32, #tpu.memory_space<vmem>>
    %dma_wait3A_378 = tpu.memref_squeeze %dma_wait3A_377 : memref<1x64xi32, #tpu.memory_space<vmem>> -> memref<64xi32, #tpu.memory_space<vmem>>
    %dma_wait3A_379 = arith.constant 0 : i32
    %dma_wait3A_380 = arith.constant 0 : i32
    %dma_wait3A_381 = tpu.memref_slice %arg6[%dma_wait3A_379, %dma_wait3A_380] : memref<100x128xf32, #tpu.memory_space<vmem_shared>> -> memref<100x128xf32, #tpu.memory_space<vmem_shared>>
    %dma_wait3A_382 = tpu.memref_slice %arg8[%dma_wait3A_372] : memref<8x!tpu.dma_semaphore, #tpu.memory_space<semaphore_mem>> -> memref<1x!tpu.dma_semaphore, #tpu.memory_space<semaphore_mem>>
    %dma_wait3A_383 = tpu.memref_squeeze %dma_wait3A_382 : memref<1x!tpu.dma_semaphore, #tpu.memory_space<semaphore_mem>> -> memref<!tpu.dma_semaphore, #tpu.memory_space<semaphore_mem>>
    tpu.wait_indirect_dma semaphore(%dma_wait3A_383 : memref<!tpu.dma_semaphore, #tpu.memory_space<semaphore_mem>>) src(%dma_wait3A_381 : memref<100x128xf32, #tpu.memory_space<vmem_shared>>) dst(%dma_wait3A_375 : memref<64x128xf32, #tpu.memory_space<vmem>>)
    %add3A_384 = arith.constant 256 : i32
    %add3A_385 = arith.addi %mul3A_2, %add3A_384 : i32
    %dma_start3A_386 = arith.constant 256 : i32
    %dma_start3A_387 = arith.constant 0 : i32
    %dma_start3A_388 = tpu.memref_slice %arg7[%dma_start3A_386, %dma_start3A_387] : memref<512x128xf32, #tpu.memory_space<vmem>> -> memref<64x128xf32, #tpu.memory_space<vmem>>
    %dma_start3A_389 = arith.constant 0 : i32
    %dma_start3A_390 = tpu.memref_slice %arg4[%add3A_385, %dma_start3A_389] : memref<16384x128xf32, #tpu.memory_space<hbm>> -> memref<64x128xf32, #tpu.memory_space<hbm>>
    %dma_start3A_391 = arith.constant 0 : i32
    %dma_start3A_392 = tpu.memref_slice %arg4[%add3A_385, %dma_start3A_391] : memref<16384x128xf32, #tpu.memory_space<hbm>> -> memref<64x128xf32, #tpu.memory_space<hbm>>
    %dma_start3A_393 = arith.constant 256 : i32
    %dma_start3A_394 = arith.constant 0 : i32
    %dma_start3A_395 = tpu.memref_slice %arg7[%dma_start3A_393, %dma_start3A_394] : memref<512x128xf32, #tpu.memory_space<vmem>> -> memref<64x128xf32, #tpu.memory_space<vmem>>
    tpu.enqueue_dma source(%dma_start3A_395 : memref<64x128xf32, #tpu.memory_space<vmem>>) target(%dma_start3A_392 : memref<64x128xf32, #tpu.memory_space<hbm>>) target_semaphore(%arg9 : memref<!tpu.dma_semaphore, #tpu.memory_space<semaphore_mem>>)
    %dma_wait3A_396 = arith.constant 5 : i32
    %dma_wait3A_397 = arith.constant 5 : i32
    %dma_wait3A_398 = arith.constant 320 : i32
    %dma_wait3A_399 = arith.constant 0 : i32
    %dma_wait3A_400 = tpu.memref_slice %arg7[%dma_wait3A_398, %dma_wait3A_399] : memref<512x128xf32, #tpu.memory_space<vmem>> -> memref<64x128xf32, #tpu.memory_space<vmem>>
    %dma_wait3A_401 = arith.constant 0 : i32
    %dma_wait3A_402 = tpu.memref_slice %arg5[%dma_wait3A_396, %dma_wait3A_401] : memref<8x64xi32, #tpu.memory_space<vmem>> -> memref<1x64xi32, #tpu.memory_space<vmem>>
    %dma_wait3A_403 = tpu.memref_squeeze %dma_wait3A_402 : memref<1x64xi32, #tpu.memory_space<vmem>> -> memref<64xi32, #tpu.memory_space<vmem>>
    %dma_wait3A_404 = arith.constant 0 : i32
    %dma_wait3A_405 = arith.constant 0 : i32
    %dma_wait3A_406 = tpu.memref_slice %arg6[%dma_wait3A_404, %dma_wait3A_405] : memref<100x128xf32, #tpu.memory_space<vmem_shared>> -> memref<100x128xf32, #tpu.memory_space<vmem_shared>>
    %dma_wait3A_407 = tpu.memref_slice %arg8[%dma_wait3A_397] : memref<8x!tpu.dma_semaphore, #tpu.memory_space<semaphore_mem>> -> memref<1x!tpu.dma_semaphore, #tpu.memory_space<semaphore_mem>>
    %dma_wait3A_408 = tpu.memref_squeeze %dma_wait3A_407 : memref<1x!tpu.dma_semaphore, #tpu.memory_space<semaphore_mem>> -> memref<!tpu.dma_semaphore, #tpu.memory_space<semaphore_mem>>
    tpu.wait_indirect_dma semaphore(%dma_wait3A_408 : memref<!tpu.dma_semaphore, #tpu.memory_space<semaphore_mem>>) src(%dma_wait3A_406 : memref<100x128xf32, #tpu.memory_space<vmem_shared>>) dst(%dma_wait3A_400 : memref<64x128xf32, #tpu.memory_space<vmem>>)
    %add3A_409 = arith.constant 320 : i32
    %add3A_410 = arith.addi %mul3A_2, %add3A_409 : i32
    %dma_start3A_411 = arith.constant 320 : i32
    %dma_start3A_412 = arith.constant 0 : i32
    %dma_start3A_413 = tpu.memref_slice %arg7[%dma_start3A_411, %dma_start3A_412] : memref<512x128xf32, #tpu.memory_space<vmem>> -> memref<64x128xf32, #tpu.memory_space<vmem>>
    %dma_start3A_414 = arith.constant 0 : i32
    %dma_start3A_415 = tpu.memref_slice %arg4[%add3A_410, %dma_start3A_414] : memref<16384x128xf32, #tpu.memory_space<hbm>> -> memref<64x128xf32, #tpu.memory_space<hbm>>
    %dma_start3A_416 = arith.constant 0 : i32
    %dma_start3A_417 = tpu.memref_slice %arg4[%add3A_410, %dma_start3A_416] : memref<16384x128xf32, #tpu.memory_space<hbm>> -> memref<64x128xf32, #tpu.memory_space<hbm>>
    %dma_start3A_418 = arith.constant 320 : i32
    %dma_start3A_419 = arith.constant 0 : i32
    %dma_start3A_420 = tpu.memref_slice %arg7[%dma_start3A_418, %dma_start3A_419] : memref<512x128xf32, #tpu.memory_space<vmem>> -> memref<64x128xf32, #tpu.memory_space<vmem>>
    tpu.enqueue_dma source(%dma_start3A_420 : memref<64x128xf32, #tpu.memory_space<vmem>>) target(%dma_start3A_417 : memref<64x128xf32, #tpu.memory_space<hbm>>) target_semaphore(%arg9 : memref<!tpu.dma_semaphore, #tpu.memory_space<semaphore_mem>>)
    %dma_wait3A_421 = arith.constant 6 : i32
    %dma_wait3A_422 = arith.constant 6 : i32
    %dma_wait3A_423 = arith.constant 384 : i32
    %dma_wait3A_424 = arith.constant 0 : i32
    %dma_wait3A_425 = tpu.memref_slice %arg7[%dma_wait3A_423, %dma_wait3A_424] : memref<512x128xf32, #tpu.memory_space<vmem>> -> memref<64x128xf32, #tpu.memory_space<vmem>>
    %dma_wait3A_426 = arith.constant 0 : i32
    %dma_wait3A_427 = tpu.memref_slice %arg5[%dma_wait3A_421, %dma_wait3A_426] : memref<8x64xi32, #tpu.memory_space<vmem>> -> memref<1x64xi32, #tpu.memory_space<vmem>>
    %dma_wait3A_428 = tpu.memref_squeeze %dma_wait3A_427 : memref<1x64xi32, #tpu.memory_space<vmem>> -> memref<64xi32, #tpu.memory_space<vmem>>
    %dma_wait3A_429 = arith.constant 0 : i32
    %dma_wait3A_430 = arith.constant 0 : i32
    %dma_wait3A_431 = tpu.memref_slice %arg6[%dma_wait3A_429, %dma_wait3A_430] : memref<100x128xf32, #tpu.memory_space<vmem_shared>> -> memref<100x128xf32, #tpu.memory_space<vmem_shared>>
    %dma_wait3A_432 = tpu.memref_slice %arg8[%dma_wait3A_422] : memref<8x!tpu.dma_semaphore, #tpu.memory_space<semaphore_mem>> -> memref<1x!tpu.dma_semaphore, #tpu.memory_space<semaphore_mem>>
    %dma_wait3A_433 = tpu.memref_squeeze %dma_wait3A_432 : memref<1x!tpu.dma_semaphore, #tpu.memory_space<semaphore_mem>> -> memref<!tpu.dma_semaphore, #tpu.memory_space<semaphore_mem>>
    tpu.wait_indirect_dma semaphore(%dma_wait3A_433 : memref<!tpu.dma_semaphore, #tpu.memory_space<semaphore_mem>>) src(%dma_wait3A_431 : memref<100x128xf32, #tpu.memory_space<vmem_shared>>) dst(%dma_wait3A_425 : memref<64x128xf32, #tpu.memory_space<vmem>>)
    %add3A_434 = arith.constant 384 : i32
    %add3A_435 = arith.addi %mul3A_2, %add3A_434 : i32
    %dma_start3A_436 = arith.constant 384 : i32
    %dma_start3A_437 = arith.constant 0 : i32
    %dma_start3A_438 = tpu.memref_slice %arg7[%dma_start3A_436, %dma_start3A_437] : memref<512x128xf32, #tpu.memory_space<vmem>> -> memref<64x128xf32, #tpu.memory_space<vmem>>
    %dma_start3A_439 = arith.constant 0 : i32
    %dma_start3A_440 = tpu.memref_slice %arg4[%add3A_435, %dma_start3A_439] : memref<16384x128xf32, #tpu.memory_space<hbm>> -> memref<64x128xf32, #tpu.memory_space<hbm>>
    %dma_start3A_441 = arith.constant 0 : i32
    %dma_start3A_442 = tpu.memref_slice %arg4[%add3A_435, %dma_start3A_441] : memref<16384x128xf32, #tpu.memory_space<hbm>> -> memref<64x128xf32, #tpu.memory_space<hbm>>
    %dma_start3A_443 = arith.constant 384 : i32
    %dma_start3A_444 = arith.constant 0 : i32
    %dma_start3A_445 = tpu.memref_slice %arg7[%dma_start3A_443, %dma_start3A_444] : memref<512x128xf32, #tpu.memory_space<vmem>> -> memref<64x128xf32, #tpu.memory_space<vmem>>
    tpu.enqueue_dma source(%dma_start3A_445 : memref<64x128xf32, #tpu.memory_space<vmem>>) target(%dma_start3A_442 : memref<64x128xf32, #tpu.memory_space<hbm>>) target_semaphore(%arg9 : memref<!tpu.dma_semaphore, #tpu.memory_space<semaphore_mem>>)
    %dma_wait3A_446 = arith.constant 7 : i32
    %dma_wait3A_447 = arith.constant 7 : i32
    %dma_wait3A_448 = arith.constant 448 : i32
    %dma_wait3A_449 = arith.constant 0 : i32
    %dma_wait3A_450 = tpu.memref_slice %arg7[%dma_wait3A_448, %dma_wait3A_449] : memref<512x128xf32, #tpu.memory_space<vmem>> -> memref<64x128xf32, #tpu.memory_space<vmem>>
    %dma_wait3A_451 = arith.constant 0 : i32
    %dma_wait3A_452 = tpu.memref_slice %arg5[%dma_wait3A_446, %dma_wait3A_451] : memref<8x64xi32, #tpu.memory_space<vmem>> -> memref<1x64xi32, #tpu.memory_space<vmem>>
    %dma_wait3A_453 = tpu.memref_squeeze %dma_wait3A_452 : memref<1x64xi32, #tpu.memory_space<vmem>> -> memref<64xi32, #tpu.memory_space<vmem>>
    %dma_wait3A_454 = arith.constant 0 : i32
    %dma_wait3A_455 = arith.constant 0 : i32
    %dma_wait3A_456 = tpu.memref_slice %arg6[%dma_wait3A_454, %dma_wait3A_455] : memref<100x128xf32, #tpu.memory_space<vmem_shared>> -> memref<100x128xf32, #tpu.memory_space<vmem_shared>>
    %dma_wait3A_457 = tpu.memref_slice %arg8[%dma_wait3A_447] : memref<8x!tpu.dma_semaphore, #tpu.memory_space<semaphore_mem>> -> memref<1x!tpu.dma_semaphore, #tpu.memory_space<semaphore_mem>>
    %dma_wait3A_458 = tpu.memref_squeeze %dma_wait3A_457 : memref<1x!tpu.dma_semaphore, #tpu.memory_space<semaphore_mem>> -> memref<!tpu.dma_semaphore, #tpu.memory_space<semaphore_mem>>
    tpu.wait_indirect_dma semaphore(%dma_wait3A_458 : memref<!tpu.dma_semaphore, #tpu.memory_space<semaphore_mem>>) src(%dma_wait3A_456 : memref<100x128xf32, #tpu.memory_space<vmem_shared>>) dst(%dma_wait3A_450 : memref<64x128xf32, #tpu.memory_space<vmem>>)
    %add3A_459 = arith.constant 448 : i32
    %add3A_460 = arith.addi %mul3A_2, %add3A_459 : i32
    %dma_start3A_461 = arith.constant 448 : i32
    %dma_start3A_462 = arith.constant 0 : i32
    %dma_start3A_463 = tpu.memref_slice %arg7[%dma_start3A_461, %dma_start3A_462] : memref<512x128xf32, #tpu.memory_space<vmem>> -> memref<64x128xf32, #tpu.memory_space<vmem>>
    %dma_start3A_464 = arith.constant 0 : i32
    %dma_start3A_465 = tpu.memref_slice %arg4[%add3A_460, %dma_start3A_464] : memref<16384x128xf32, #tpu.memory_space<hbm>> -> memref<64x128xf32, #tpu.memory_space<hbm>>
    %dma_start3A_466 = arith.constant 0 : i32
    %dma_start3A_467 = tpu.memref_slice %arg4[%add3A_460, %dma_start3A_466] : memref<16384x128xf32, #tpu.memory_space<hbm>> -> memref<64x128xf32, #tpu.memory_space<hbm>>
    %dma_start3A_468 = arith.constant 448 : i32
    %dma_start3A_469 = arith.constant 0 : i32
    %dma_start3A_470 = tpu.memref_slice %arg7[%dma_start3A_468, %dma_start3A_469] : memref<512x128xf32, #tpu.memory_space<vmem>> -> memref<64x128xf32, #tpu.memory_space<vmem>>
    tpu.enqueue_dma source(%dma_start3A_470 : memref<64x128xf32, #tpu.memory_space<vmem>>) target(%dma_start3A_467 : memref<64x128xf32, #tpu.memory_space<hbm>>) target_semaphore(%arg9 : memref<!tpu.dma_semaphore, #tpu.memory_space<semaphore_mem>>)
    %dma_wait3A_471 = arith.constant 0 : i32
    %dma_wait3A_472 = arith.constant 0 : i32
    %dma_wait3A_473 = tpu.memref_slice %arg7[%dma_wait3A_471, %dma_wait3A_472] : memref<512x128xf32, #tpu.memory_space<vmem>> -> memref<64x128xf32, #tpu.memory_space<vmem>>
    %dma_wait3A_474 = arith.constant 0 : i32
    %dma_wait3A_475 = tpu.memref_slice %arg4[%add3A_285, %dma_wait3A_474] : memref<16384x128xf32, #tpu.memory_space<hbm>> -> memref<64x128xf32, #tpu.memory_space<hbm>>
    %dma_wait3A_476 = arith.constant 0 : i32
    %dma_wait3A_477 = tpu.memref_slice %arg4[%add3A_285, %dma_wait3A_476] : memref<16384x128xf32, #tpu.memory_space<hbm>> -> memref<64x128xf32, #tpu.memory_space<hbm>>
    %dma_wait3A_478 = arith.constant 0 : i32
    %dma_wait3A_479 = arith.constant 0 : i32
    %dma_wait3A_480 = tpu.memref_slice %arg7[%dma_wait3A_478, %dma_wait3A_479] : memref<512x128xf32, #tpu.memory_space<vmem>> -> memref<64x128xf32, #tpu.memory_space<vmem>>
    tpu.wait_dma2 semaphore(%arg9 : memref<!tpu.dma_semaphore, #tpu.memory_space<semaphore_mem>>) src(%dma_wait3A_480 : memref<64x128xf32, #tpu.memory_space<vmem>>) dst(%dma_wait3A_477 : memref<64x128xf32, #tpu.memory_space<hbm>>)
    %dma_wait3A_481 = arith.constant 64 : i32
    %dma_wait3A_482 = arith.constant 0 : i32
    %dma_wait3A_483 = tpu.memref_slice %arg7[%dma_wait3A_481, %dma_wait3A_482] : memref<512x128xf32, #tpu.memory_space<vmem>> -> memref<64x128xf32, #tpu.memory_space<vmem>>
    %dma_wait3A_484 = arith.constant 0 : i32
    %dma_wait3A_485 = tpu.memref_slice %arg4[%add3A_310, %dma_wait3A_484] : memref<16384x128xf32, #tpu.memory_space<hbm>> -> memref<64x128xf32, #tpu.memory_space<hbm>>
    %dma_wait3A_486 = arith.constant 0 : i32
    %dma_wait3A_487 = tpu.memref_slice %arg4[%add3A_310, %dma_wait3A_486] : memref<16384x128xf32, #tpu.memory_space<hbm>> -> memref<64x128xf32, #tpu.memory_space<hbm>>
    %dma_wait3A_488 = arith.constant 64 : i32
    %dma_wait3A_489 = arith.constant 0 : i32
    %dma_wait3A_490 = tpu.memref_slice %arg7[%dma_wait3A_488, %dma_wait3A_489] : memref<512x128xf32, #tpu.memory_space<vmem>> -> memref<64x128xf32, #tpu.memory_space<vmem>>
    tpu.wait_dma2 semaphore(%arg9 : memref<!tpu.dma_semaphore, #tpu.memory_space<semaphore_mem>>) src(%dma_wait3A_490 : memref<64x128xf32, #tpu.memory_space<vmem>>) dst(%dma_wait3A_487 : memref<64x128xf32, #tpu.memory_space<hbm>>)
    %dma_wait3A_491 = arith.constant 128 : i32
    %dma_wait3A_492 = arith.constant 0 : i32
    %dma_wait3A_493 = tpu.memref_slice %arg7[%dma_wait3A_491, %dma_wait3A_492] : memref<512x128xf32, #tpu.memory_space<vmem>> -> memref<64x128xf32, #tpu.memory_space<vmem>>
    %dma_wait3A_494 = arith.constant 0 : i32
    %dma_wait3A_495 = tpu.memref_slice %arg4[%add3A_335, %dma_wait3A_494] : memref<16384x128xf32, #tpu.memory_space<hbm>> -> memref<64x128xf32, #tpu.memory_space<hbm>>
    %dma_wait3A_496 = arith.constant 0 : i32
    %dma_wait3A_497 = tpu.memref_slice %arg4[%add3A_335, %dma_wait3A_496] : memref<16384x128xf32, #tpu.memory_space<hbm>> -> memref<64x128xf32, #tpu.memory_space<hbm>>
    %dma_wait3A_498 = arith.constant 128 : i32
    %dma_wait3A_499 = arith.constant 0 : i32
    %dma_wait3A_500 = tpu.memref_slice %arg7[%dma_wait3A_498, %dma_wait3A_499] : memref<512x128xf32, #tpu.memory_space<vmem>> -> memref<64x128xf32, #tpu.memory_space<vmem>>
    tpu.wait_dma2 semaphore(%arg9 : memref<!tpu.dma_semaphore, #tpu.memory_space<semaphore_mem>>) src(%dma_wait3A_500 : memref<64x128xf32, #tpu.memory_space<vmem>>) dst(%dma_wait3A_497 : memref<64x128xf32, #tpu.memory_space<hbm>>)
    %dma_wait3A_501 = arith.constant 192 : i32
    %dma_wait3A_502 = arith.constant 0 : i32
    %dma_wait3A_503 = tpu.memref_slice %arg7[%dma_wait3A_501, %dma_wait3A_502] : memref<512x128xf32, #tpu.memory_space<vmem>> -> memref<64x128xf32, #tpu.memory_space<vmem>>
    %dma_wait3A_504 = arith.constant 0 : i32
    %dma_wait3A_505 = tpu.memref_slice %arg4[%add3A_360, %dma_wait3A_504] : memref<16384x128xf32, #tpu.memory_space<hbm>> -> memref<64x128xf32, #tpu.memory_space<hbm>>
    %dma_wait3A_506 = arith.constant 0 : i32
    %dma_wait3A_507 = tpu.memref_slice %arg4[%add3A_360, %dma_wait3A_506] : memref<16384x128xf32, #tpu.memory_space<hbm>> -> memref<64x128xf32, #tpu.memory_space<hbm>>
    %dma_wait3A_508 = arith.constant 192 : i32
    %dma_wait3A_509 = arith.constant 0 : i32
    %dma_wait3A_510 = tpu.memref_slice %arg7[%dma_wait3A_508, %dma_wait3A_509] : memref<512x128xf32, #tpu.memory_space<vmem>> -> memref<64x128xf32, #tpu.memory_space<vmem>>
    tpu.wait_dma2 semaphore(%arg9 : memref<!tpu.dma_semaphore, #tpu.memory_space<semaphore_mem>>) src(%dma_wait3A_510 : memref<64x128xf32, #tpu.memory_space<vmem>>) dst(%dma_wait3A_507 : memref<64x128xf32, #tpu.memory_space<hbm>>)
    %dma_wait3A_511 = arith.constant 256 : i32
    %dma_wait3A_512 = arith.constant 0 : i32
    %dma_wait3A_513 = tpu.memref_slice %arg7[%dma_wait3A_511, %dma_wait3A_512] : memref<512x128xf32, #tpu.memory_space<vmem>> -> memref<64x128xf32, #tpu.memory_space<vmem>>
    %dma_wait3A_514 = arith.constant 0 : i32
    %dma_wait3A_515 = tpu.memref_slice %arg4[%add3A_385, %dma_wait3A_514] : memref<16384x128xf32, #tpu.memory_space<hbm>> -> memref<64x128xf32, #tpu.memory_space<hbm>>
    %dma_wait3A_516 = arith.constant 0 : i32
    %dma_wait3A_517 = tpu.memref_slice %arg4[%add3A_385, %dma_wait3A_516] : memref<16384x128xf32, #tpu.memory_space<hbm>> -> memref<64x128xf32, #tpu.memory_space<hbm>>
    %dma_wait3A_518 = arith.constant 256 : i32
    %dma_wait3A_519 = arith.constant 0 : i32
    %dma_wait3A_520 = tpu.memref_slice %arg7[%dma_wait3A_518, %dma_wait3A_519] : memref<512x128xf32, #tpu.memory_space<vmem>> -> memref<64x128xf32, #tpu.memory_space<vmem>>
    tpu.wait_dma2 semaphore(%arg9 : memref<!tpu.dma_semaphore, #tpu.memory_space<semaphore_mem>>) src(%dma_wait3A_520 : memref<64x128xf32, #tpu.memory_space<vmem>>) dst(%dma_wait3A_517 : memref<64x128xf32, #tpu.memory_space<hbm>>)
    %dma_wait3A_521 = arith.constant 320 : i32
    %dma_wait3A_522 = arith.constant 0 : i32
    %dma_wait3A_523 = tpu.memref_slice %arg7[%dma_wait3A_521, %dma_wait3A_522] : memref<512x128xf32, #tpu.memory_space<vmem>> -> memref<64x128xf32, #tpu.memory_space<vmem>>
    %dma_wait3A_524 = arith.constant 0 : i32
    %dma_wait3A_525 = tpu.memref_slice %arg4[%add3A_410, %dma_wait3A_524] : memref<16384x128xf32, #tpu.memory_space<hbm>> -> memref<64x128xf32, #tpu.memory_space<hbm>>
    %dma_wait3A_526 = arith.constant 0 : i32
    %dma_wait3A_527 = tpu.memref_slice %arg4[%add3A_410, %dma_wait3A_526] : memref<16384x128xf32, #tpu.memory_space<hbm>> -> memref<64x128xf32, #tpu.memory_space<hbm>>
    %dma_wait3A_528 = arith.constant 320 : i32
    %dma_wait3A_529 = arith.constant 0 : i32
    %dma_wait3A_530 = tpu.memref_slice %arg7[%dma_wait3A_528, %dma_wait3A_529] : memref<512x128xf32, #tpu.memory_space<vmem>> -> memref<64x128xf32, #tpu.memory_space<vmem>>
    tpu.wait_dma2 semaphore(%arg9 : memref<!tpu.dma_semaphore, #tpu.memory_space<semaphore_mem>>) src(%dma_wait3A_530 : memref<64x128xf32, #tpu.memory_space<vmem>>) dst(%dma_wait3A_527 : memref<64x128xf32, #tpu.memory_space<hbm>>)
    %dma_wait3A_531 = arith.constant 384 : i32
    %dma_wait3A_532 = arith.constant 0 : i32
    %dma_wait3A_533 = tpu.memref_slice %arg7[%dma_wait3A_531, %dma_wait3A_532] : memref<512x128xf32, #tpu.memory_space<vmem>> -> memref<64x128xf32, #tpu.memory_space<vmem>>
    %dma_wait3A_534 = arith.constant 0 : i32
    %dma_wait3A_535 = tpu.memref_slice %arg4[%add3A_435, %dma_wait3A_534] : memref<16384x128xf32, #tpu.memory_space<hbm>> -> memref<64x128xf32, #tpu.memory_space<hbm>>
    %dma_wait3A_536 = arith.constant 0 : i32
    %dma_wait3A_537 = tpu.memref_slice %arg4[%add3A_435, %dma_wait3A_536] : memref<16384x128xf32, #tpu.memory_space<hbm>> -> memref<64x128xf32, #tpu.memory_space<hbm>>
    %dma_wait3A_538 = arith.constant 384 : i32
    %dma_wait3A_539 = arith.constant 0 : i32
    %dma_wait3A_540 = tpu.memref_slice %arg7[%dma_wait3A_538, %dma_wait3A_539] : memref<512x128xf32, #tpu.memory_space<vmem>> -> memref<64x128xf32, #tpu.memory_space<vmem>>
    tpu.wait_dma2 semaphore(%arg9 : memref<!tpu.dma_semaphore, #tpu.memory_space<semaphore_mem>>) src(%dma_wait3A_540 : memref<64x128xf32, #tpu.memory_space<vmem>>) dst(%dma_wait3A_537 : memref<64x128xf32, #tpu.memory_space<hbm>>)
    %dma_wait3A_541 = arith.constant 448 : i32
    %dma_wait3A_542 = arith.constant 0 : i32
    %dma_wait3A_543 = tpu.memref_slice %arg7[%dma_wait3A_541, %dma_wait3A_542] : memref<512x128xf32, #tpu.memory_space<vmem>> -> memref<64x128xf32, #tpu.memory_space<vmem>>
    %dma_wait3A_544 = arith.constant 0 : i32
    %dma_wait3A_545 = tpu.memref_slice %arg4[%add3A_460, %dma_wait3A_544] : memref<16384x128xf32, #tpu.memory_space<hbm>> -> memref<64x128xf32, #tpu.memory_space<hbm>>
    %dma_wait3A_546 = arith.constant 0 : i32
    %dma_wait3A_547 = tpu.memref_slice %arg4[%add3A_460, %dma_wait3A_546] : memref<16384x128xf32, #tpu.memory_space<hbm>> -> memref<64x128xf32, #tpu.memory_space<hbm>>
    %dma_wait3A_548 = arith.constant 448 : i32
    %dma_wait3A_549 = arith.constant 0 : i32
    %dma_wait3A_550 = tpu.memref_slice %arg7[%dma_wait3A_548, %dma_wait3A_549] : memref<512x128xf32, #tpu.memory_space<vmem>> -> memref<64x128xf32, #tpu.memory_space<vmem>>
    tpu.wait_dma2 semaphore(%arg9 : memref<!tpu.dma_semaphore, #tpu.memory_space<semaphore_mem>>) src(%dma_wait3A_550 : memref<64x128xf32, #tpu.memory_space<vmem>>) dst(%dma_wait3A_547 : memref<64x128xf32, #tpu.memory_space<hbm>>)
    return
  }
}

</mosaic_0001>

<sc_bundles>
// kernel: _emb_lookup.3.cloned.1.call-start
scs
__scs_entry_jumppad:
0x0: {  	(pc) =	sbr.rel $0x88, $3  }
0x1: {  	(tag) =	ssettag $0x0;
	lr =	simm.s32 $0x1  }
0x2: {  	[smem:$0x3F9F] =	sst lr;
	_ =	strace $0xD0000000  }
0x3: {  	_ = 	snop  }
0x4: {  	_ = 	snop  }
0x5: {  	_ = 	snop  }
0x6: {  	_ = 	snop  }
0x7: {  	_ = 	snop  }
__scs_overlays_trampoline_lowered:
0x8: {  	[smem:$0x3FAE] =	sst s0  }
0x9: {  	[smem:$0x3FAF] =	sst s1  }
0xa: {  	[smem:$0x3FB0] =	sst s2  }
0xb: {  	[smem:$0x3FB1] =	sst s3  }
0xc: {  	[smem:$0x3FB2] =	sst s4  }
0xd: {  	[smem:$0x3FB3] =	sst s5  }
0xe: {  	[smem:$0x3FB4] =	sst s6  }
0xf: {  	[smem:$0x3FB5] =	sst s7  }
0x10: {  	[smem:$0x3FB6] =	sst s8  }
0x11: {  	[smem:$0x3FB7] =	sst s9;
	s0 =	simm.s32 @!p0 $0x0  }
0x12: {  	s1 =	sld [smem:$0x3F9D];
	s0 =	simm.s32 @p0 $0x1  }
0x13: {  	[smem:$0x3FB8] =	sst s0;
	s0 =	simm.s32 @!p1 $0x0  }
0x14: {  	s2 =	sld [smem:$0x3F9C];
	s0 =	simm.s32 @p1 $0x1  }
0x15: {  	[smem:$0x3FB9] =	sst s0;
	s0 =	simm.s32 @!p2 $0x0  }
0x16: {  	s3 =	sld [smem:$0x3FDB];
	s0 =	simm.s32 @p2 $0x1  }
0x17: {  	s4 =	simm.s32 $0x1BF5;
	[smem:$0x3FBB] =	sst s0  }
0x18: {  	s0 =	sld [smem:$0x3F9E];
	_ =	swait.ge [sflag:s4], $0x0  }
0x19: {  	s7 =	sld [smem:$0x3F9F]  }
0x1a: {  	s8 =	sadd.s32 $0xFFFFE003, lr  }
0x1b: {  	s9 =	sadd.s32 $0xFFFFFEF7, lr;
	s5 =	simm.s32 $0xFFFFFFFF;
	p2 =	slt.u32 s8, $0xFFFFF086  }
0x1c: {  	p1 =	slt.u32 s9, $0xF7A;
	s5 =	simm.s32 @!p2 $0x0  }
0x1d: {  	s5 =	simm.s32 @p1 $0x1;
	p0 =	seq.s32 s7, s2  }
0x1e: {  	s7 =	smul.u32 @!p0 $0xF7A, s2;
	p2 =	seq.s32 @!p0 s5, $0x0  }
0x1f: {  	s9 =	smul.u32 $0xF7A, s1;
	s8 =	simm.s32 @!p0 $0x1BF5;
	p2 =	por !p2, p0  }
0x20: {  	[sflag:s8] =	ssyncset.s32 @!p0 $0xFFFFF086;
	s6 =	sadd.s32 @!p0 s3, s7;
	s7 =	simm.s32 @!p0 $0x108  }
0x21: {  	s3 =	sadd.s32 s3, s9;
	s6 =	sadd.s32 @!p0 $0x88, s6;
	s7 =	simm.s32 @p2 $0x1082  }
0x22: {  	[simem:s7], [sflag:s8] =	dma.local @!p0 [hbm:s6], $0xF7A  }
0x23: {  	s9 =	sor.u32 $0xD0000000, s2;
	s6 =	simm.s32 $0x108;
	_ =	swait.ge @!p0 [sflag:s8], $0x0  }
0x24: {  	s3 =	sadd.s32 $0x88, s3;
	s6 =	simm.s32 @!p1 $0x1082;
	[sflag:s4] =	ssyncset.s32 $0xFFFFF086  }
0x25: {  	[simem:s6], [sflag:s4] =	dma.local [hbm:s3], $0xF7A  }
0x26: {  	[smem:$0x3F9F] =	sst s1;
	(tag) =	ssettag s2;
	_ =	strace s9  }
0x27: {  	s1 =	sld [smem:$0x3FAF]  }
0x28: {  	s2 =	sld [smem:$0x3FB0]  }
0x29: {  	s4 =	sld [smem:$0x3FB2]  }
0x2a: {  	p0 =	seq.s32 s5, $0x0;
	s5 =	sld [smem:$0x3FB3]  }
0x2b: {  	s6 =	sld [smem:$0x3FB4]  }
0x2c: {  	s7 =	sld [smem:$0x3FB5]  }
0x2d: {  	s3 =	simm.s32 $0x108;
	s8 =	sld [smem:$0x3FB6]  }
0x2e: {  	s3 =	simm.s32 @!p0 $0x1082;
	s9 =	sld [smem:$0x3FB7]  }
0x2f: {  	lr =	sadd.s32 s0, s3;
	s0 =	sld [smem:$0x3FAE]  }
0x30: {  	s3 =	sld [smem:$0x3FB1]  }
0x31: {  	[smem:$0x3FBA] =	sst s10  }
0x32: {  	s10 =	sld [smem:$0x3FB8];
	_ =	sdelay $0x3  }
0x33: {  	p0 =	seq.s32 s10, $0x1;
	s10 =	sld [smem:$0x3FBA];
	_ =	sdelay $0x3  }
0x34: {  	[smem:$0x3FBA] =	sst s10  }
0x35: {  	s10 =	sld [smem:$0x3FB9];
	_ =	sdelay $0x3  }
0x36: {  	p1 =	seq.s32 s10, $0x1;
	s10 =	sld [smem:$0x3FBA];
	_ =	sdelay $0x3  }
0x37: {  	[smem:$0x3FBA] =	sst s10  }
0x38: {  	s10 =	sld [smem:$0x3FBB]  }
0x39: {  	_ = 	snop;
	(pc) =	sbr.ind lr, $3  }
0x3a: {  	_ = 	snop  }
0x3b: {  	_ = 	snop  }
0x3c: {  	p2 =	seq.s32 s10, $0x1;
	s10 =	sld [smem:$0x3FBA]  }
0x3d: {  	_ =	shalt  }
0x3e: {  	_ =	shalt  }
0x3f: {  	_ =	shalt  }
0x40: {  	_ =	shalt  }
0x41: {  	_ =	shalt  }
0x42: {  	_ =	shalt  }
0x43: {  	_ =	shalt  }
0x44: {  	_ =	shalt  }
0x45: {  	_ =	shalt  }
0x46: {  	_ =	shalt  }
0x47: {  	_ =	shalt  }
0x48: {  	_ =	shalt  }
0x49: {  	_ =	shalt  }
0x4a: {  	_ =	shalt  }
0x4b: {  	_ =	shalt  }
0x4c: {  	_ =	shalt  }
0x4d: {  	_ =	shalt  }
0x4e: {  	_ =	shalt  }
0x4f: {  	_ =	shalt  }
0x50: {  	_ =	shalt  }
0x51: {  	_ =	shalt  }
0x52: {  	_ =	shalt  }
0x53: {  	_ =	shalt  }
0x54: {  	_ =	shalt  }
0x55: {  	_ =	shalt  }
0x56: {  	_ =	shalt  }
0x57: {  	_ =	shalt  }
0x58: {  	_ =	shalt  }
0x59: {  	_ =	shalt  }
0x5a: {  	_ =	shalt  }
0x5b: {  	_ =	shalt  }
0x5c: {  	_ =	shalt  }
0x5d: {  	_ =	shalt  }
0x5e: {  	_ =	shalt  }
0x5f: {  	_ =	shalt  }
0x60: {  	_ =	shalt  }
0x61: {  	_ =	shalt  }
0x62: {  	_ =	shalt  }
0x63: {  	_ =	shalt  }
0x64: {  	_ =	shalt  }
0x65: {  	_ =	shalt  }
0x66: {  	_ =	shalt  }
0x67: {  	_ =	shalt  }
0x68: {  	_ =	shalt  }
0x69: {  	_ =	shalt  }
0x6a: {  	_ =	shalt  }
0x6b: {  	_ =	shalt  }
0x6c: {  	_ =	shalt  }
0x6d: {  	_ =	shalt  }
0x6e: {  	_ =	shalt  }
0x6f: {  	_ =	shalt  }
0x70: {  	_ =	shalt  }
0x71: {  	_ =	shalt  }
0x72: {  	_ =	shalt  }
0x73: {  	_ =	shalt  }
0x74: {  	_ =	shalt  }
0x75: {  	_ =	shalt  }
0x76: {  	_ =	shalt  }
0x77: {  	_ =	shalt  }
0x78: {  	_ =	shalt  }
0x79: {  	_ =	shalt  }
0x7a: {  	_ =	shalt  }
0x7b: {  	_ =	shalt  }
0x7c: {  	_ =	shalt  }
0x7d: {  	_ =	shalt  }
0x7e: {  	_ =	shalt  }
0x7f: {  	_ =	shalt  }
0x80: {  	_ =	shalt  }
0x81: {  	_ =	shalt  }
0x82: {  	_ =	shalt  }
0x83: {  	_ =	shalt  }
0x84: {  	_ =	shalt  }
0x85: {  	_ =	shalt  }
0x86: {  	_ =	shalt  }
0x87: {  	_ =	shalt  }
.Lfunc_end0:
.L_simem_size_0:
called_computation_lowered:
.L_overlay_start_0:
0x88: {  	s2 =	sld [smem:$0x3FD9]  }
0x89: {  	s3 =	sld [smem:$0x3FFE];
	_ =	sdelay $0x1  }
0x8a: {  	s1 =	srdreg.scid  }
0x8b: {  	s0 =	sand.u32 $0x1, s1  }
0x8c: {  	s18 =	sshll.u32 s0, $0xA;
	s2 =	sadd.s32 s3, s2  }
0x8d: {  	s2 =	sadd.s32 s2, s18  }
0x8e: {  	[smem:$0x3FC6] =	sst s2  }
0x8f: {  	_ = 	snop  }
0x90: {  	s2 =	sld [smem:$0x3FC9]  }
0x91: {  	s19 =	sld [smem:$0x3FC8]  }
0x92: {  	s4 =	sld [smem:$0x3FD0];
	(tm) =	ssettm $0x1  }
0x93: {  	s5 =	sld [smem:$0x3FFB];
	_ =	sdelay $0x3  }
0x94: {  	_ =	strace s5  }
0x95: {  	s5 =	sld [smem:$0x3FFC];
	_ =	sdelay $0x3  }
0x96: {  	_ =	strace s5  }
0x97: {  	s5 =	sld [smem:$0x3FFD];
	_ =	sdelay $0x3  }
0x98: {  	_ =	strace s5  }
0x99: {  	_ =	strace $0x8FFFFFFF  }
0x9a: {  	s20 =	sld [smem:$0x3FDB];
	_ =	sdelay $0x1  }
0x9b: {  	s6 =	simm.s32 $_scs_section_size  }
0x9c: {  	s7 =	simm.s32 $_size__tile_overlayer_lowered;
	s8 =	simm.s32 $_tile_overlayer_lowered  }
0x9d: {  	s23 =	simm.s32 $0x1BFF;
	s22 =	sshll.u32 s8, $0x1;
	s5 =	sadd.s32 s6, s20  }
0x9e: {  	s9 =	simm.s32 $0x0;
	s21 =	sshll.u32 s7, $0x1;
	s7 =	sadd.s32 s22, s5  }
0x9f: {  	[timem:s9], [sflag:s23] =	dma.local [hbm:s7], s21  }
0xa0: {  	_ =	swait.ge [sflag:s23], s21  }
0xa1: {  	s6 =	ssub.s32 $0x0, s21;
	[sflag:s23] =	ssyncset.done $0x0  }
0xa2: {  	[sflag:s23] =	ssyncadd.s32 s6;
	_ =	sdelay $0x1  }
0xa3: {  	s24 =	simm.s32 $0x1B8B  }
0xa4: {  	_ =	swait.ge [sflag:s24], $0x1  }
0xa5: {  	[sflag:s24] =	ssyncset.done $0x0  }
0xa6: {  	s25 =	simm.s32 $0x1B8E;
	[sflag:s24] =	ssyncadd.s32 $0xFFFFFFFF  }
0xa7: {  	s26 =	simm.s32 $execute0_lowered;
	[smem:$0x3FD2] =	sst s25  }
0xa8: {  	s6 =	sshll.u32 s26, $0x1;
	_ =	strace $0x80000046;
	[dreg:$0x1] =	wrdreg $0xFFFFFFFF  }
0xa9: {  	s28 =	simm.s32 $_size_execute0_lowered;
	s5 =	sadd.s32 s5, s6;
	[dreg:$0x0] =	wrdreg $0x0  }
0xaa: {  	s6 =	sshll.u32 s28, $0x1;
	[dreg:$0x2] =	wrdreg s5  }
0xab: {  	[dreg:$0x3] =	wrdreg s6  }
0xac: {  	[dreg:$0x4] =	wrdreg $0xC0  }
0xad: {  	_ =	task [dreg:s9], $0x5FFFF  }
0xae: {  	[dreg:$0x1] =	wrdreg $0xFFFFFFFF  }
0xaf: {  	[dreg:$0x0] =	wrdreg $0x60  }
0xb0: {  	[dreg:$0x2] =	wrdreg s2  }
0xb1: {  	[dreg:$0x3] =	wrdreg s19  }
0xb2: {  	[dreg:$0x4] =	wrdreg s4  }
0xb3: {  	[dreg:$0x5] =	wrdreg $0x4000  }
0xb4: {  	[dreg:$0x6] =	wrdreg $0x9  }
0xb5: {  	_ =	task.clear_ibuf [dreg:s9], $0x7FFFF;
	_ =	strace $0x90000046  }
0xb6: {  	s29 =	simm.s32 $0x9;
	_ =	strace $0x80000048  }
0xb7: {  	_ =	swait.ge [sflag:s29], $0x1  }
0xb8: {  	[sflag:s29] =	ssyncadd.s32 $0xFFFFFFFF  }
0xb9: {  	_ =	strace $0x90000048  }
0xba: {  	_ =	sfence  }
0xbb: {  	s30 =	sld [smem:$0x0];
	_ =	sdelay $0x2  }
0xbc: {  	s31 =	sshll.u32 s1, $0xD;
	s1 =	sshrl.u32 s1, $0x2  }
0xbd: {  	s3 =	sand.u32 $0x4000, s31;
	s1 =	sadd.s32 s1, s30  }
0xbe: {  	s0 =	sor.u32 s3, s0;
	s1 =	sshll.u32 s1, $0x11  }
0xbf: {  	s0 =	sor.u32 s1, s0  }
0xc0: {  	s0 =	sadd.s32 $0x8F2B, s0  }
0xc1: {  	[sflag:s0] =	ssyncadd.remote.s32 $0x1  }
0xc2: {  	_ =	sfence.sel $0xFFFF  }
0xc3: {  	[dreg:$0x0] =	wrdreg $0xFFFFFFFF;
	(pc) =	sbr.abs _section_cstart, $3  }
0xc4: {  	[dreg:$0x1] =	wrdreg $0xFFFFFFFF  }
0xc5: {  	_ =	task.clear_ibuf [dreg:s9], $0x2FFFF;
	_ =	strace $0x9FFFFFFF  }
0xc6: {  	(tm) =	ssettm $0x7FFFFFFF  }
0xc7: {  	_ =	shalt  }
tec
execute0_lowered:
.L_overlay_start_1:
0x0: {  	(tag) =	ssettag $0x1  }
0x1: {  	s1 =	rddreg [dreg:$0x0]  }
0x2: {  	s5 =	rddreg [dreg:$0x1];
	s2 =	srdreg.scid  }
0x3: {  	s0 =	rddreg [dreg:$0x2];
	s16 =	stileid.u32  }
0x4: {  	s3 =	simm.s32 $0x0;
	s4 =	sand.u32 $0x1, s2;
	s2 =	rddreg [dreg:$0x3]  }
0x5: {  	s6 =	sshll.u32 s16, $0xA;
	[smem:$0x7FF] =	sst s3  }
0x6: {  	s19 =	sadd.s32 $0x600, s5;
	s20 =	sshll.u32 s16, $0x9;
	s7 =	sshll.u32 s4, $0x9  }
0x7: {  	_ =	strace $0x80000047;
	[dreg:$0xd] =	wrdreg s19;
	s21 =	sadd.s32 s5, s20  }
0x8: {  	s6 =	sor.u32 s7, s6;
	[dreg:$0xe] =	wrdreg s21  }
0x9: {  	s7 =	sshrl.u32 s6, $0x3;
	s8 =	sor.u32 $0x40, s6;
	s10 =	sor.u32 $0xC0, s6  }
0xa: {  	s12 =	sor.u32 $0x100, s6;
	s22 =	sshll.u32 s6, $0x4;
	s7 =	sadd.s32 s1, s7  }
0xb: {  	s9 =	sshrl.u32 s8, $0x3;
	s23 =	sadd.s32 s0, s22;
	[dreg:$0x5] =	wrdreg s7  }
0xc: {  	s11 =	sshrl.u32 s10, $0x3;
	s25 =	sadd.s32 s1, s9;
	[dreg:$0xf] =	wrdreg s23  }
0xd: {  	s13 =	sshrl.u32 s12, $0x3;
	s11 =	sadd.s32 s1, s11;
	[dreg:$0x6] =	wrdreg s25  }
0xe: {  	s24 =	sshll.u32 s8, $0x4;
	s14 =	sadd.s32 s1, s13;
	[dreg:$0x8] =	wrdreg s11  }
0xf: {  	[dreg:$0x9] =	wrdreg s14;
	s25 =	sadd.s32 s0, s24  }
0x10: {  	s9 =	sor.u32 $0x80, s6;
	s13 =	sor.u32 $0x180, s6;
	[dreg:$0x10] =	wrdreg s25  }
0x11: {  	s26 =	sshrl.u32 s9, $0x3;
	s11 =	sor.u32 $0x140, s6;
	s19 =	rddreg [dreg:$0x8]  }
0x12: {  	s14 =	sshrl.u32 s13, $0x3;
	s7 =	sadd.s32 s1, s26;
	s21 =	rddreg [dreg:$0x9]  }
0x13: {  	s15 =	sshrl.u32 s11, $0x3;
	s17 =	sadd.s32 s1, s14;
	[dreg:$0x7] =	wrdreg s7  }
0x14: {  	s26 =	sshll.u32 s9, $0x4;
	s11 =	sshll.u32 s11, $0x4;
	[dreg:$0xb] =	wrdreg s17  }
0x15: {  	s9 =	sshll.u32 s12, $0x4;
	s12 =	sadd.s32 s0, s11;
	s11 =	rddreg [dreg:$0xd]  }
0x16: {  	s7 =	sadd.s32 s1, s15;
	s17 =	rddreg [dreg:$0x6]  }
0x17: {  	s15 =	sor.u32 $0x1C0, s6;
	s6 =	sadd.s32 s0, s26;
	[dreg:$0xa] =	wrdreg s7  }
0x18: {  	p0 =	sgt.u32 s16, $0x2;
	[dreg:$0x11] =	wrdreg s6  }
0x19: {  	p1 =	sne.s32 @p0 s16, $0x3;
	[dreg:$0x14] =	wrdreg s12  }
0x1a: {  	s18 =	sshrl.u32 s15, $0x3;
	s14 =	sshll.u32 s15, $0x4;
	s15 =	rddreg [dreg:$0x5]  }
0x1b: {  	s7 =	sshll.u32 s10, $0x4;
	s10 =	sadd.s32 s0, s9;
	s24 =	rddreg [dreg:$0xb]  }
0x1c: {  	p1 =	por p1, !p0;
	[dreg:$0x13] =	wrdreg s10  }
0x1d: {  	[tilespmem:s3], [sflag:$0xA] =	stream.linear.gather [hbm4b:s15+s3], $0x40, $0x38;
	[tilespmem:$0x10720] =	vst v63  }
0x1e: {  	s13 =	sshll.u32 s13, $0x4;
	s1 =	sadd.s32 s1, s18;
	s18 =	rddreg [dreg:$0x7]  }
0x1f: {  	s6 =	sadd.s32 $0x3000, s2;
	s8 =	sadd.s32 s0, s7;
	s22 =	rddreg [dreg:$0xa]  }
0x20: {  	[dreg:$0xc] =	wrdreg s1;
	s1 =	sadd.s32 s0, s13;
	s0 =	sadd.s32 s0, s14  }
0x21: {  	[dreg:$0x16] =	wrdreg s0;
	s0 =	sshrl.u32 @!p1 s6, $0x3;
	s6 =	simm.s32 $0x80  }
0x22: {  	[tilespmem:s6], [sflag:$0xA] =	stream.linear.gather [hbm4b:s17+s3], $0x40, $0x38;
	[tilespmem:$0x10720] =	vst v63  }
0x23: {  	s5 =	simm.s32 $0x100;
	[dreg:$0x12] =	wrdreg s8  }
0x24: {  	[tilespmem:s5], [sflag:$0xA] =	stream.linear.gather [hbm4b:s18+s3], $0x40, $0x38;
	[tilespmem:$0x10720] =	vst v63  }
0x25: {  	s20 =	sshll.u32 s16, $0xC;
	s9 =	simm.s32 $0x180;
	[dreg:$0x15] =	wrdreg s1  }
0x26: {  	[tilespmem:s9], [sflag:$0xA] =	stream.linear.gather [hbm4b:s19+s3], $0x40, $0x38;
	[tilespmem:$0x10720] =	vst v63  }
0x27: {  	s23 =	simm.s32 $0x280;
	s7 =	simm.s32 $0x200;
	s26 =	rddreg [dreg:$0xc]  }
0x28: {  	[tilespmem:s7], [sflag:$0xA] =	stream.linear.gather [hbm4b:s21+s3], $0x40, $0x38;
	[tilespmem:$0x10720] =	vst v63  }
0x29: {  	s25 =	simm.s32 $0x380;
	s1 =	sadd.s32 s20, s2;
	[dreg:$0x17] =	wrdreg s0  }
0x2a: {  	[tilespmem:s23], [sflag:$0xA] =	stream.linear.gather [hbm4b:s22+s3], $0x40, $0x38;
	[tilespmem:$0x10720] =	vst v63  }
0x2b: {  	s17 =	simm.s32 $0x300;
	s1 =	sshrl.u32 @!p0 s1, $0x3;
	s0 =	rddreg [dreg:$0x17]  }
0x2c: {  	[tilespmem:s17], [sflag:$0xA] =	stream.linear.gather [hbm4b:s24+s3], $0x40, $0x38;
	[tilespmem:$0x10720] =	vst v63  }
0x2d: {  	s12 =	simm.s32 @!p1 $0xB;
	[dreg:$0x18] =	wrdreg s1;
	s1 =	simm.s32 @!p1 $0x1CCB  }
0x2e: {  	[tilespmem:s25], [sflag:$0xA] =	stream.linear.gather [hbm4b:s26+s3], $0x40, $0x38;
	[tilespmem:$0x10720] =	vst v63  }
0x2f: {  	[spmem:s0], [sflag:s1] =	dma.local @!p1 [hbm:s11], $0x40  }
0x30: {  	_ =	swait.ge @!p1 [sflag:s12], $0x40  }
0x31: {  	s11 =	sshll.u32 @!p0 s16, $0x6;
	s0 =	rddreg [dreg:$0xe]  }
0x32: {  	s11 =	sor.u32 @!p0 $0x1C0B, s11;
	s1 =	rddreg [dreg:$0x18];
	[sflag:s12] =	ssyncset.done @!p1 $0x0  }
0x33: {  	s14 =	simm.s32 @!p0 $0xB;
	[dreg:$0x19] =	wrdreg s11;
	[sflag:s12] =	ssyncadd.s32 @!p1 $0xFFFFFFC0  }
0x34: {  	[spmem:s1], [sflag:s11] =	dma.local @!p0 [hbm:s0], $0x200  }
0x35: {  	_ =	swait.ge @!p0 [sflag:s14], $0x200  }
0x36: {  	[sflag:s14] =	ssyncset.done @!p0 $0x0  }
0x37: {  	[sflag:s14] =	ssyncadd.s32 @!p0 $0xFFFFFE00  }
0x38: {  	s15 =	simm.s32 $0xA;
	[bflag:$0x0] =	sbarrier.arrive $0xFFFF  }
0x39: {  	_ =	swait.ge [sflag:s15], $0x40  }
0x3a: {  	[sflag:s15] =	ssyncset.done $0x0  }
0x3b: {  	s13 =	simm.s32 $0x720;
	s16 =	simm.s32 $0x40;
	[sflag:s15] =	ssyncadd.s32 $0xFFFFFFC0  }
0x3c: {  	[tilespmem:s13], [sflag:$0x1] =	stream.indirect.gather [spmem:s2], $0x80, s3, s16, $0xb8;
	[tilespmem:$0x10720] =	vst v63  }
0x3d: {  	_ =	swait.ge [sflag:s15], $0x40  }
0x3e: {  	[sflag:s15] =	ssyncset.done $0x0  }
0x3f: {  	s18 =	simm.s32 $0x2720;
	[sflag:s15] =	ssyncadd.s32 $0xFFFFFFC0  }
0x40: {  	[tilespmem:s18], [sflag:$0x2] =	stream.indirect.gather [spmem:s2], $0x80, s6, s16, $0xb8;
	[tilespmem:$0x10720] =	vst v63  }
0x41: {  	_ =	swait.ge [sflag:s15], $0x40  }
0x42: {  	[sflag:s15] =	ssyncset.done $0x0  }
0x43: {  	s19 =	simm.s32 $0x4720;
	[sflag:s15] =	ssyncadd.s32 $0xFFFFFFC0  }
0x44: {  	[tilespmem:s19], [sflag:$0x3] =	stream.indirect.gather [spmem:s2], $0x80, s5, s16, $0xb8;
	[tilespmem:$0x10720] =	vst v63  }
0x45: {  	_ =	swait.ge [sflag:s15], $0x40  }
0x46: {  	[sflag:s15] =	ssyncset.done $0x0  }
0x47: {  	s20 =	simm.s32 $0x6720;
	[sflag:s15] =	ssyncadd.s32 $0xFFFFFFC0  }
0x48: {  	[tilespmem:s20], [sflag:$0x4] =	stream.indirect.gather [spmem:s2], $0x80, s9, s16, $0xb8;
	[tilespmem:$0x10720] =	vst v63  }
0x49: {  	_ =	swait.ge [sflag:s15], $0x40  }
0x4a: {  	[sflag:s15] =	ssyncset.done $0x0  }
0x4b: {  	s21 =	simm.s32 $0x8720;
	[sflag:s15] =	ssyncadd.s32 $0xFFFFFFC0  }
0x4c: {  	[tilespmem:s21], [sflag:$0x5] =	stream.indirect.gather [spmem:s2], $0x80, s7, s16, $0xb8;
	[tilespmem:$0x10720] =	vst v63  }
0x4d: {  	_ =	swait.ge [sflag:s15], $0x40  }
0x4e: {  	[sflag:s15] =	ssyncset.done $0x0  }
0x4f: {  	s22 =	simm.s32 $0xA720;
	[sflag:s15] =	ssyncadd.s32 $0xFFFFFFC0  }
0x50: {  	[tilespmem:s22], [sflag:$0x6] =	stream.indirect.gather [spmem:s2], $0x80, s23, s16, $0xb8;
	[tilespmem:$0x10720] =	vst v63  }
0x51: {  	_ =	swait.ge [sflag:s15], $0x40  }
0x52: {  	[sflag:s15] =	ssyncset.done $0x0  }
0x53: {  	s23 =	simm.s32 $0xC720;
	[sflag:s15] =	ssyncadd.s32 $0xFFFFFFC0  }
0x54: {  	[tilespmem:s23], [sflag:$0x7] =	stream.indirect.gather [spmem:s2], $0x80, s17, s16, $0xb8;
	[tilespmem:$0x10720] =	vst v63  }
0x55: {  	_ =	swait.ge [sflag:s15], $0x40  }
0x56: {  	[sflag:s15] =	ssyncset.done $0x0  }
0x57: {  	s24 =	simm.s32 $0xE720;
	[sflag:s15] =	ssyncadd.s32 $0xFFFFFFC0  }
0x58: {  	[tilespmem:s24], [sflag:$0x8] =	stream.indirect.gather [spmem:s2], $0x80, s25, s16, $0xb8;
	[tilespmem:$0x10720] =	vst v63  }
0x59: {  	s25 =	simm.s32 $0x1  }
0x5a: {  	_ =	swait.ge [sflag:s25], $0x2000  }
0x5b: {  	[sflag:s25] =	ssyncset.done $0x0  }
0x5c: {  	s26 =	simm.s32 $0x2;
	s8 =	rddreg [dreg:$0xf];
	[sflag:s25] =	ssyncadd.s32 $0xFFFFE000  }
0x5d: {  	[hbm4b:s8+s3] =	stream.linear.scatter [tilespmem:s13], [sflag:$0x9], $0x2000, $0x38;
	[tilespmem:$0x10720] =	vst v63  }
0x5e: {  	_ =	swait.ge [sflag:s26], $0x2000  }
0x5f: {  	[sflag:s26] =	ssyncset.done $0x0  }
0x60: {  	s28 =	simm.s32 $0x3;
	s9 =	rddreg [dreg:$0x10];
	[sflag:s26] =	ssyncadd.s32 $0xFFFFE000  }
0x61: {  	[hbm4b:s9+s3] =	stream.linear.scatter [tilespmem:s18], [sflag:$0x9], $0x2000, $0x38;
	[tilespmem:$0x10720] =	vst v63  }
0x62: {  	_ =	swait.ge [sflag:s28], $0x2000  }
0x63: {  	[sflag:s28] =	ssyncset.done $0x0  }
0x64: {  	s29 =	simm.s32 $0x4;
	s10 =	rddreg [dreg:$0x11];
	[sflag:s28] =	ssyncadd.s32 $0xFFFFE000  }
0x65: {  	[hbm4b:s10+s3] =	stream.linear.scatter [tilespmem:s19], [sflag:$0x9], $0x2000, $0x38;
	[tilespmem:$0x10720] =	vst v63  }
0x66: {  	_ =	swait.ge [sflag:s29], $0x2000  }
0x67: {  	[sflag:s29] =	ssyncset.done $0x0  }
0x68: {  	s30 =	simm.s32 $0x5;
	s11 =	rddreg [dreg:$0x12];
	[sflag:s29] =	ssyncadd.s32 $0xFFFFE000  }
0x69: {  	[hbm4b:s11+s3] =	stream.linear.scatter [tilespmem:s20], [sflag:$0x9], $0x2000, $0x38;
	[tilespmem:$0x10720] =	vst v63  }
0x6a: {  	_ =	swait.ge [sflag:s30], $0x2000  }
0x6b: {  	[sflag:s30] =	ssyncset.done $0x0  }
0x6c: {  	s31 =	simm.s32 $0x6;
	s13 =	rddreg [dreg:$0x13];
	[sflag:s30] =	ssyncadd.s32 $0xFFFFE000  }
0x6d: {  	[hbm4b:s13+s3] =	stream.linear.scatter [tilespmem:s21], [sflag:$0x9], $0x2000, $0x38;
	[tilespmem:$0x10720] =	vst v63  }
0x6e: {  	_ =	swait.ge [sflag:s31], $0x2000  }
0x6f: {  	[sflag:s31] =	ssyncset.done $0x0  }
0x70: {  	s1 =	simm.s32 $0x7;
	s17 =	rddreg [dreg:$0x14];
	[sflag:s31] =	ssyncadd.s32 $0xFFFFE000  }
0x71: {  	[hbm4b:s17+s3] =	stream.linear.scatter [tilespmem:s22], [sflag:$0x9], $0x2000, $0x38;
	[tilespmem:$0x10720] =	vst v63  }
0x72: {  	_ =	swait.ge [sflag:s1], $0x2000  }
0x73: {  	[sflag:s1] =	ssyncset.done $0x0  }
0x74: {  	s0 =	simm.s32 $0x8;
	s18 =	rddreg [dreg:$0x15];
	[sflag:s1] =	ssyncadd.s32 $0xFFFFE000  }
0x75: {  	[hbm4b:s18+s3] =	stream.linear.scatter [tilespmem:s23], [sflag:$0x9], $0x2000, $0x38;
	[tilespmem:$0x10720] =	vst v63  }
0x76: {  	_ =	swait.ge [sflag:s0], $0x2000  }
0x77: {  	[sflag:s0] =	ssyncset.done $0x0  }
0x78: {  	s11 =	simm.s32 $0x9;
	s19 =	rddreg [dreg:$0x16];
	[sflag:s0] =	ssyncadd.s32 $0xFFFFE000  }
0x79: {  	[hbm4b:s19+s3] =	stream.linear.scatter [tilespmem:s24], [sflag:$0x9], $0x2000, $0x38;
	[tilespmem:$0x10720] =	vst v63  }
0x7a: {  	_ =	swait.ge [sflag:s11], $0x2000  }
0x7b: {  	[sflag:s11] =	ssyncset.done $0x0  }
0x7c: {  	[sflag:s11] =	ssyncadd.s32 $0xFFFFE000  }
0x7d: {  	_ =	swait.ge [sflag:s11], $0x2000  }
0x7e: {  	[sflag:s11] =	ssyncset.done $0x0  }
0x7f: {  	[sflag:s11] =	ssyncadd.s32 $0xFFFFE000  }
0x80: {  	_ =	swait.ge [sflag:s11], $0x2000  }
0x81: {  	[sflag:s11] =	ssyncset.done $0x0  }
0x82: {  	[sflag:s11] =	ssyncadd.s32 $0xFFFFE000  }
0x83: {  	_ =	swait.ge [sflag:s11], $0x2000  }
0x84: {  	[sflag:s11] =	ssyncset.done $0x0  }
0x85: {  	s20 =	ssub.s32 $0x2, s4;
	[sflag:s11] =	ssyncadd.s32 $0xFFFFE000  }
0x86: {  	s4 =	sshrl.u32 s20, $0x1;
	_ =	swait.ge [sflag:s11], $0x2000  }
0x87: {  	s4 =	ssub.s32 s20, s4;
	[sflag:s11] =	ssyncset.done $0x0  }
0x88: {  	s4 =	smax.u32 s4, $0x1;
	[sflag:s11] =	ssyncadd.s32 $0xFFFFE000  }
0x89: {  	s4 =	sadd.s32 $0xFFFFFFFF, s4;
	_ =	swait.ge [sflag:s11], $0x2000  }
0x8a: {  	p2 =	sne.s32 s4, $0x0;
	[sflag:s11] =	ssyncset.done $0x0  }
.Ltmp0:
0x8b: {  	[sflag:s11] =	ssyncadd.s32 $0xFFFFE000;
	(pc) =	sbr.rel @!p2 .LBB2_3-.Ltmp0, $4  }
0x8c: {  	_ =	swait.ge [sflag:s11], $0x2000  }
0x8d: {  	[sflag:s11] =	ssyncset.done $0x0  }
0x8e: {  	[sflag:s11] =	ssyncadd.s32 $0xFFFFE000  }
0x8f: {  	_ =	swait.ge [sflag:s11], $0x2000  }
0x90: {  	s10 =	simm.s32 $0x100;
	s13 =	simm.s32 $0x180;
	s17 =	simm.s32 $0x200  }
0x91: {  	s18 =	simm.s32 $0x280;
	s19 =	simm.s32 $0x300;
	s20 =	simm.s32 $0x380  }
.LBB2_2:
0x92: {  	s5 =	rddreg [dreg:$0x17]  }
0x93: {  	[sflag:s11] =	ssyncset.done $0x0;
	s6 =	rddreg [dreg:$0x5]  }
0x94: {  	s7 =	rddreg [dreg:$0xd];
	[sflag:s11] =	ssyncadd.s32 $0xFFFFE000  }
0x95: {  	[tilespmem:s3], [sflag:$0xA] =	stream.linear.gather [hbm4b:s6+s3], $0x40, $0x38;
	[tilespmem:$0x10720] =	vst v63  }
0x96: {  	s8 =	rddreg [dreg:$0x6];
	s9 =	simm.s32 $0x80  }
0x97: {  	[tilespmem:s9], [sflag:$0xA] =	stream.linear.gather [hbm4b:s8+s3], $0x40, $0x38;
	[tilespmem:$0x10720] =	vst v63  }
0x98: {  	s6 =	rddreg [dreg:$0x7]  }
0x99: {  	[tilespmem:s10], [sflag:$0xA] =	stream.linear.gather [hbm4b:s6+s3], $0x40, $0x38;
	[tilespmem:$0x10720] =	vst v63  }
0x9a: {  	s8 =	rddreg [dreg:$0x8]  }
0x9b: {  	[tilespmem:s13], [sflag:$0xA] =	stream.linear.gather [hbm4b:s8+s3], $0x40, $0x38;
	[tilespmem:$0x10720] =	vst v63  }
0x9c: {  	s6 =	rddreg [dreg:$0x9]  }
0x9d: {  	[tilespmem:s17], [sflag:$0xA] =	stream.linear.gather [hbm4b:s6+s3], $0x40, $0x38;
	[tilespmem:$0x10720] =	vst v63  }
0x9e: {  	s8 =	rddreg [dreg:$0xa]  }
0x9f: {  	[tilespmem:s18], [sflag:$0xA] =	stream.linear.gather [hbm4b:s8+s3], $0x40, $0x38;
	[tilespmem:$0x10720] =	vst v63  }
0xa0: {  	s6 =	rddreg [dreg:$0xb]  }
0xa1: {  	[tilespmem:s19], [sflag:$0xA] =	stream.linear.gather [hbm4b:s6+s3], $0x40, $0x38;
	[tilespmem:$0x10720] =	vst v63  }
0xa2: {  	s8 =	rddreg [dreg:$0xc];
	s6 =	simm.s32 @!p1 $0x1CCB  }
0xa3: {  	[tilespmem:s20], [sflag:$0xA] =	stream.linear.gather [hbm4b:s8+s3], $0x40, $0x38;
	[tilespmem:$0x10720] =	vst v63  }
0xa4: {  	[spmem:s5], [sflag:s6] =	dma.local @!p1 [hbm:s7], $0x40  }
0xa5: {  	_ =	swait.ge @!p1 [sflag:s12], $0x40  }
0xa6: {  	s5 =	rddreg [dreg:$0xe]  }
0xa7: {  	[sflag:s12] =	ssyncset.done @!p1 $0x0;
	s6 =	rddreg [dreg:$0x18]  }
0xa8: {  	s7 =	rddreg [dreg:$0x19];
	[sflag:s12] =	ssyncadd.s32 @!p1 $0xFFFFFFC0  }
0xa9: {  	[spmem:s6], [sflag:s7] =	dma.local @!p0 [hbm:s5], $0x200  }
0xaa: {  	_ =	swait.ge @!p0 [sflag:s14], $0x200  }
0xab: {  	[sflag:s14] =	ssyncset.done @!p0 $0x0  }
0xac: {  	[sflag:s14] =	ssyncadd.s32 @!p0 $0xFFFFFE00  }
0xad: {  	[bflag:$0x0] =	sbarrier.arrive $0xFFFF  }
0xae: {  	_ =	swait.ge [sflag:s15], $0x40  }
0xaf: {  	[sflag:s15] =	ssyncset.done $0x0  }
0xb0: {  	s6 =	simm.s32 $0x720;
	[sflag:s15] =	ssyncadd.s32 $0xFFFFFFC0  }
0xb1: {  	[tilespmem:s6], [sflag:$0x1] =	stream.indirect.gather [spmem:s2], $0x80, s3, s16, $0xb8;
	[tilespmem:$0x10720] =	vst v63  }
0xb2: {  	_ =	swait.ge [sflag:s15], $0x40  }
0xb3: {  	[sflag:s15] =	ssyncset.done $0x0  }
0xb4: {  	s7 =	simm.s32 $0x2720;
	[sflag:s15] =	ssyncadd.s32 $0xFFFFFFC0  }
0xb5: {  	[tilespmem:s7], [sflag:$0x2] =	stream.indirect.gather [spmem:s2], $0x80, s9, s16, $0xb8;
	[tilespmem:$0x10720] =	vst v63  }
0xb6: {  	_ =	swait.ge [sflag:s15], $0x40  }
0xb7: {  	[sflag:s15] =	ssyncset.done $0x0  }
0xb8: {  	s8 =	simm.s32 $0x4720;
	[sflag:s15] =	ssyncadd.s32 $0xFFFFFFC0  }
0xb9: {  	[tilespmem:s8], [sflag:$0x3] =	stream.indirect.gather [spmem:s2], $0x80, s10, s16, $0xb8;
	[tilespmem:$0x10720] =	vst v63  }
0xba: {  	_ =	swait.ge [sflag:s15], $0x40  }
0xbb: {  	[sflag:s15] =	ssyncset.done $0x0  }
0xbc: {  	s9 =	simm.s32 $0x6720;
	[sflag:s15] =	ssyncadd.s32 $0xFFFFFFC0  }
0xbd: {  	[tilespmem:s9], [sflag:$0x4] =	stream.indirect.gather [spmem:s2], $0x80, s13, s16, $0xb8;
	[tilespmem:$0x10720] =	vst v63  }
0xbe: {  	_ =	swait.ge [sflag:s15], $0x40  }
0xbf: {  	[sflag:s15] =	ssyncset.done $0x0  }
0xc0: {  	[sflag:s15] =	ssyncadd.s32 $0xFFFFFFC0  }
0xc1: {  	[tilespmem:s21], [sflag:$0x5] =	stream.indirect.gather [spmem:s2], $0x80, s17, s16, $0xb8;
	[tilespmem:$0x10720] =	vst v63  }
0xc2: {  	_ =	swait.ge [sflag:s15], $0x40  }
0xc3: {  	[sflag:s15] =	ssyncset.done $0x0  }
0xc4: {  	[sflag:s15] =	ssyncadd.s32 $0xFFFFFFC0  }
0xc5: {  	[tilespmem:s22], [sflag:$0x6] =	stream.indirect.gather [spmem:s2], $0x80, s18, s16, $0xb8;
	[tilespmem:$0x10720] =	vst v63  }
0xc6: {  	_ =	swait.ge [sflag:s15], $0x40  }
0xc7: {  	[sflag:s15] =	ssyncset.done $0x0  }
0xc8: {  	[sflag:s15] =	ssyncadd.s32 $0xFFFFFFC0  }
0xc9: {  	[tilespmem:s23], [sflag:$0x7] =	stream.indirect.gather [spmem:s2], $0x80, s19, s16, $0xb8;
	[tilespmem:$0x10720] =	vst v63  }
0xca: {  	_ =	swait.ge [sflag:s15], $0x40  }
0xcb: {  	[sflag:s15] =	ssyncset.done $0x0  }
0xcc: {  	[sflag:s15] =	ssyncadd.s32 $0xFFFFFFC0  }
0xcd: {  	[tilespmem:s24], [sflag:$0x8] =	stream.indirect.gather [spmem:s2], $0x80, s20, s16, $0xb8;
	[tilespmem:$0x10720] =	vst v63  }
0xce: {  	_ =	swait.ge [sflag:s25], $0x2000  }
0xcf: {  	[sflag:s25] =	ssyncset.done $0x0  }
0xd0: {  	s5 =	rddreg [dreg:$0xf];
	[sflag:s25] =	ssyncadd.s32 $0xFFFFE000  }
0xd1: {  	[hbm4b:s5+s3] =	stream.linear.scatter [tilespmem:s6], [sflag:$0x9], $0x2000, $0x38;
	[tilespmem:$0x10720] =	vst v63  }
0xd2: {  	_ =	swait.ge [sflag:s26], $0x2000  }
0xd3: {  	[sflag:s26] =	ssyncset.done $0x0  }
0xd4: {  	s6 =	rddreg [dreg:$0x10];
	[sflag:s26] =	ssyncadd.s32 $0xFFFFE000  }
0xd5: {  	[hbm4b:s6+s3] =	stream.linear.scatter [tilespmem:s7], [sflag:$0x9], $0x2000, $0x38;
	[tilespmem:$0x10720] =	vst v63  }
0xd6: {  	_ =	swait.ge [sflag:s28], $0x2000  }
0xd7: {  	[sflag:s28] =	ssyncset.done $0x0  }
0xd8: {  	s7 =	rddreg [dreg:$0x11];
	[sflag:s28] =	ssyncadd.s32 $0xFFFFE000  }
0xd9: {  	[hbm4b:s7+s3] =	stream.linear.scatter [tilespmem:s8], [sflag:$0x9], $0x2000, $0x38;
	[tilespmem:$0x10720] =	vst v63  }
0xda: {  	_ =	swait.ge [sflag:s29], $0x2000  }
0xdb: {  	[sflag:s29] =	ssyncset.done $0x0  }
0xdc: {  	s8 =	rddreg [dreg:$0x12];
	[sflag:s29] =	ssyncadd.s32 $0xFFFFE000  }
0xdd: {  	[hbm4b:s8+s3] =	stream.linear.scatter [tilespmem:s9], [sflag:$0x9], $0x2000, $0x38;
	[tilespmem:$0x10720] =	vst v63  }
0xde: {  	_ =	swait.ge [sflag:s30], $0x2000  }
0xdf: {  	[sflag:s30] =	ssyncset.done $0x0  }
0xe0: {  	s6 =	rddreg [dreg:$0x13];
	[sflag:s30] =	ssyncadd.s32 $0xFFFFE000  }
0xe1: {  	[hbm4b:s6+s3] =	stream.linear.scatter [tilespmem:s21], [sflag:$0x9], $0x2000, $0x38;
	[tilespmem:$0x10720] =	vst v63  }
0xe2: {  	_ =	swait.ge [sflag:s31], $0x2000  }
0xe3: {  	[sflag:s31] =	ssyncset.done $0x0  }
0xe4: {  	s7 =	rddreg [dreg:$0x14];
	[sflag:s31] =	ssyncadd.s32 $0xFFFFE000  }
0xe5: {  	[hbm4b:s7+s3] =	stream.linear.scatter [tilespmem:s22], [sflag:$0x9], $0x2000, $0x38;
	[tilespmem:$0x10720] =	vst v63  }
0xe6: {  	_ =	swait.ge [sflag:s1], $0x2000  }
0xe7: {  	[sflag:s1] =	ssyncset.done $0x0  }
0xe8: {  	s8 =	rddreg [dreg:$0x15];
	[sflag:s1] =	ssyncadd.s32 $0xFFFFE000  }
0xe9: {  	[hbm4b:s8+s3] =	stream.linear.scatter [tilespmem:s23], [sflag:$0x9], $0x2000, $0x38;
	[tilespmem:$0x10720] =	vst v63  }
0xea: {  	_ =	swait.ge [sflag:s0], $0x2000  }
0xeb: {  	[sflag:s0] =	ssyncset.done $0x0  }
0xec: {  	s9 =	rddreg [dreg:$0x16];
	[sflag:s0] =	ssyncadd.s32 $0xFFFFE000  }
0xed: {  	[hbm4b:s9+s3] =	stream.linear.scatter [tilespmem:s24], [sflag:$0x9], $0x2000, $0x38;
	[tilespmem:$0x10720] =	vst v63  }
0xee: {  	_ =	swait.ge [sflag:s11], $0x2000  }
0xef: {  	[sflag:s11] =	ssyncset.done $0x0  }
0xf0: {  	[sflag:s11] =	ssyncadd.s32 $0xFFFFE000  }
0xf1: {  	_ =	swait.ge [sflag:s11], $0x2000  }
0xf2: {  	[sflag:s11] =	ssyncset.done $0x0  }
0xf3: {  	[sflag:s11] =	ssyncadd.s32 $0xFFFFE000  }
0xf4: {  	_ =	swait.ge [sflag:s11], $0x2000  }
0xf5: {  	[sflag:s11] =	ssyncset.done $0x0  }
0xf6: {  	[sflag:s11] =	ssyncadd.s32 $0xFFFFE000  }
0xf7: {  	_ =	swait.ge [sflag:s11], $0x2000  }
0xf8: {  	[sflag:s11] =	ssyncset.done $0x0  }
0xf9: {  	[sflag:s11] =	ssyncadd.s32 $0xFFFFE000  }
0xfa: {  	_ =	swait.ge [sflag:s11], $0x2000  }
0xfb: {  	[sflag:s11] =	ssyncset.done $0x0  }
0xfc: {  	[sflag:s11] =	ssyncadd.s32 $0xFFFFE000  }
0xfd: {  	s4 =	sadd.s32 $0xFFFFFFFF, s4;
	_ =	swait.ge [sflag:s11], $0x2000  }
0xfe: {  	p2 =	sne.s32 s4, $0x0;
	[sflag:s11] =	ssyncset.done $0x0  }
.Ltmp1:
0xff: {  	[sflag:s11] =	ssyncadd.s32 $0xFFFFE000;
	(pc) =	sbr.rel @p2 .LBB2_2-.Ltmp1, $4  }
0x100: {  	_ =	swait.ge [sflag:s11], $0x2000  }
0x101: {  	[sflag:s11] =	ssyncset.done $0x0  }
0x102: {  	[sflag:s11] =	ssyncadd.s32 $0xFFFFE000  }
0x103: {  	_ =	swait.ge [sflag:s11], $0x2000  }
.LBB2_3:
0x104: {  	[sflag:s11] =	ssyncset.done $0x0  }
0x105: {  	[sflag:s11] =	ssyncadd.s32 $0xFFFFE000  }
0x106: {  	_ =	sfence.sel $0x180000  }
0x107: {  	[bflag:$0x0] =	sbarrier.arrive $0xFFFF  }
0x108: {  	_ =	strace $0x90000047  }
0x109: {  	s0 =	stileid.u32;
	[bflag:$0x2] =	sbarrier.arrive $0xFFFF  }
0x10a: {  	p0 =	sne.s32 s0, $0x0;
	s0 =	rddreg [dreg:$0x4]  }
0x10b: {  	s0 =	sadd.s32 @!p0 $0x100000, s0  }
0x10c: {  	[sflag:s0] =	ssyncadd.tile.s32 @!p0 $0x1;
	_ =	shalt  }
.Lfunc_end2:
_tile_overlayer_lowered:
.L_overlay_start_2:
0x10d: {  	(tag) =	ssettag $0x2  }
0x10e: {  	s0 =	rddreg [dreg:$0x0];
	s2 =	stileid.u32  }
0x10f: {  	s1 =	rddreg [dreg:$0x1];
	p0 =	sne.s32 s2, $0x0  }
0x110: {  	s3 =	rddreg [dreg:$0x2];
	[bflag:$0x3] =	sbarrier.arrive $0xFFFF;
	s2 =	simm.s32 @!p0 $0x1C0B  }
0x111: {  	[timem:s3], [sflag:s2] =	dma.local @!p0 [hbm:s0], s1  }
0x112: {  	s0 =	simm.s32 @!p0 $0xB  }
0x113: {  	_ =	swait.ge @!p0 [sflag:s0], s1  }
0x114: {  	s1 =	ssub.s32 @!p0 $0x0, s1;
	[sflag:s0] =	ssyncset.done @!p0 $0x0  }
0x115: {  	[sflag:s0] =	ssyncadd.s32 @!p0 s1  }
0x116: {  	[bflag:$0x3] =	sbarrier.arrive $0xFFFF  }
0x117: {  	_ =	shalt  }

</sc_bundles>
